<compile_context>
chip_gen: v7x
topology: tpu7x:2x2x1
jax: 0.10.2.dev20260603
libtpu: 0.0.44.dev20260713+nightly
codegen_flags: <defaults>
</compile_context>

<pallas_src>
import functools

import jax
import jax.numpy as jnp
from jax import lax
from jax.experimental import pallas as pl
from jax.experimental.pallas import tpu as pltpu
from jax.experimental.pallas import tpu_sc as plsc

_NBUF = 3


@functools.lru_cache(maxsize=None)
def _make_gather(B: int, V: int, D: int, C: int):
    info = plsc.get_sparse_core_info()
    nc, ns = info.num_cores, info.num_subcores
    nw = nc * ns
    assert B % nw == 0
    b_per_w = B // nw
    n_chunks = b_per_w // C
    assert n_chunks % _NBUF == 1
    n_groups = n_chunks // _NBUF
    mesh = plsc.VectorSubcoreMesh(core_axis_name="c", subcore_axis_name="s")

    @functools.partial(
        pl.kernel,
        mesh=mesh,
        out_type=jax.ShapeDtypeStruct((B, D), jnp.float32),
        scratch_types=[
            pltpu.VMEM((b_per_w,), jnp.int32),
            pltpu.VMEM((_NBUF, C, D), jnp.float32),
            pltpu.SemaphoreType.DMA((_NBUF,)),
            pltpu.SemaphoreType.DMA((_NBUF,)),
        ],
    )
    def k(time_hbm, table_hbm, out_hbm, idx_v, bufs, gsem, wsem):
        wid = lax.axis_index("s") * nc + lax.axis_index("c")
        base = wid * b_per_w
        pltpu.sync_copy(time_hbm.at[pl.ds(base, b_per_w)], idx_v)

        def gather(c, b):
            return pltpu.make_async_copy(
                table_hbm.at[idx_v.at[pl.ds(c * C, C)]], bufs.at[b], gsem.at[b]
            )

        def write(c, b):
            return pltpu.make_async_copy(
                bufs.at[b], out_hbm.at[pl.ds(base + c * C, C)], wsem.at[b]
            )

        for b in range(_NBUF):
            gather(b, b).start()

        def body(g, carry):
            c0 = _NBUF * g
            for b in range(_NBUF):
                c = c0 + b
                gather(c, b).wait()
                write(c, b).start()

                write(c, b).wait()

                @pl.when(c + _NBUF < n_chunks)
                def _():
                    gather(c + _NBUF, b).start()
            return carry

        lax.fori_loop(0, n_groups, body, 0)

        clast = n_chunks - 1
        gather(clast, 0).wait()
        write(clast, 0).start()
        write(clast, 0).wait()

    return k


def kernel(time, embeddings):
    (B,) = time.shape
    V, D = embeddings.shape
    return _make_gather(B, V, D, 8)(time.astype(jnp.int32), embeddings)

# --- scband reference (transcript-rebuilt; emitter-appended) ---
"""Pipeline reference for scband-tfsinusoidal-position-embeddings-22935125361013 (READ-ONLY COPY).

The authoritative reference and input builder live on the scoring server;
editing this copy changes nothing except your own understanding.
"""

import jax, jax.numpy as jnp
import numpy as np

MAX_STEPS = 4096
BATCH = 16384

def _build_table():
    half_dim = MAX_STEPS // 2
    scale = np.log(10000.0) / (half_dim - 1)
    emb = jnp.exp(jnp.arange(half_dim, dtype=jnp.float32) * -scale)
    emb = jnp.arange(MAX_STEPS, dtype=jnp.float32)[:, None] * emb[None, :]
    return jnp.concatenate([jnp.sin(emb), jnp.cos(emb)], axis=-1)

def setup_inputs(seed: int = 0):
    key = jax.random.key(seed)
    time = jax.random.randint(key, (BATCH,), 0, MAX_STEPS)
    embeddings = _build_table()
    return {"time": time, "embeddings": embeddings}

def reference(time, embeddings):
    # tf.gather(self.embeddings, time)
    return jnp.take(embeddings, time, axis=0)

if __name__ == "__main__":
    import jax
    _d = setup_inputs()
    print(jax.jit(kernel)(*tuple(_d.values())))

</pallas_src>

<mosaic_0001>
#map = affine_map<(d0, d1) -> (0)>
#map1 = affine_map<(d0, d1) -> (0, 0)>
module attributes {stable_mosaic.version = 14 : i64} {
  func.func @k(%arg0: i32, %arg1: i32, %arg2: memref<16384xi32, #tpu.memory_space<hbm>>, %arg3: memref<4096x4096xf32, #tpu.memory_space<hbm>>, %arg4: memref<16384x4096xf32, #tpu.memory_space<hbm>>, %arg5: memref<512xi32, #tpu.memory_space<vmem>>, %arg6: memref<3x8x4096xf32, #tpu.memory_space<vmem>>, %arg7: memref<3x!tpu.dma_semaphore, #tpu.memory_space<semaphore_mem>>, %arg8: memref<3x!tpu.dma_semaphore, #tpu.memory_space<semaphore_mem>>) attributes {dimension_semantics = [#tpu.dimension_semantics<core_parallel>, #tpu.dimension_semantics<subcore_parallel>], iteration_bounds = array<i64: 2, 16>, scalar_prefetch = 0 : i64, scratch_operands = 4 : i64, tpu.core_type = #tpu.core_type<sc_vector_subcore>, window_params = [{transform_indices = #map}, {transform_indices = #map1}, {transform_indices = #map1}]} {
    %mul3A = arith.constant 2 : i32
    %mul3A_0 = arith.muli %arg1, %mul3A : i32
    %add3A = arith.addi %mul3A_0, %arg0 : i32
    %mul3A_1 = arith.constant 512 : i32
    %mul3A_2 = arith.muli %add3A, %mul3A_1 : i32
    "tpu.region"() ({
      %run_scoped3A = tpu.sem_alloc : memref<!tpu.dma_semaphore, #tpu.memory_space<semaphore_mem>>
      %dma_start3A_94 = tpu.memref_slice %arg2[%mul3A_2] : memref<16384xi32, #tpu.memory_space<hbm>> -> memref<512xi32, #tpu.memory_space<hbm>>
      %dma_start3A_95 = tpu.memref_slice %arg2[%mul3A_2] : memref<16384xi32, #tpu.memory_space<hbm>> -> memref<512xi32, #tpu.memory_space<hbm>>
      tpu.enqueue_dma source(%dma_start3A_95 : memref<512xi32, #tpu.memory_space<hbm>>) target(%arg5 : memref<512xi32, #tpu.memory_space<vmem>>) target_semaphore(%run_scoped3A : memref<!tpu.dma_semaphore, #tpu.memory_space<semaphore_mem>>)
      %dma_wait3A_96 = tpu.memref_slice %arg2[%mul3A_2] : memref<16384xi32, #tpu.memory_space<hbm>> -> memref<512xi32, #tpu.memory_space<hbm>>
      %dma_wait3A_97 = tpu.memref_slice %arg2[%mul3A_2] : memref<16384xi32, #tpu.memory_space<hbm>> -> memref<512xi32, #tpu.memory_space<hbm>>
      tpu.wait_dma2 semaphore(%run_scoped3A : memref<!tpu.dma_semaphore, #tpu.memory_space<semaphore_mem>>) src(%dma_wait3A_97 : memref<512xi32, #tpu.memory_space<hbm>>) dst(%arg5 : memref<512xi32, #tpu.memory_space<vmem>>)
      tpu.yield
    }) : () -> ()
    %dma_start3A = arith.constant 0 : i32
    %dma_start3A_3 = arith.constant 0 : i32
    %dma_start3A_4 = arith.constant 0 : i32
    %dma_start3A_5 = arith.constant 0 : i32
    %dma_start3A_6 = tpu.memref_slice %arg6[%dma_start3A, %dma_start3A_4, %dma_start3A_5] : memref<3x8x4096xf32, #tpu.memory_space<vmem>> -> memref<1x8x4096xf32, #tpu.memory_space<vmem>>
    %dma_start3A_7 = tpu.memref_squeeze %dma_start3A_6 : memref<1x8x4096xf32, #tpu.memory_space<vmem>> -> memref<8x4096xf32, #tpu.memory_space<vmem>>
    %dma_start3A_8 = arith.constant 0 : i32
    %dma_start3A_9 = tpu.memref_slice %arg5[%dma_start3A_8] : memref<512xi32, #tpu.memory_space<vmem>> -> memref<8xi32, #tpu.memory_space<vmem>>
    %dma_start3A_10 = arith.constant 0 : i32
    %dma_start3A_11 = arith.constant 0 : i32
    %dma_start3A_12 = tpu.memref_slice %arg3[%dma_start3A_10, %dma_start3A_11] : memref<4096x4096xf32, #tpu.memory_space<hbm>> -> memref<4096x4096xf32, #tpu.memory_space<hbm>>
    %dma_start3A_13 = tpu.memref_slice %arg7[%dma_start3A_3] : memref<3x!tpu.dma_semaphore, #tpu.memory_space<semaphore_mem>> -> memref<1x!tpu.dma_semaphore, #tpu.memory_space<semaphore_mem>>
    %dma_start3A_14 = tpu.memref_squeeze %dma_start3A_13 : memref<1x!tpu.dma_semaphore, #tpu.memory_space<semaphore_mem>> -> memref<!tpu.dma_semaphore, #tpu.memory_space<semaphore_mem>>
    tpu.enqueue_indirect_dma source(%dma_start3A_12 : memref<4096x4096xf32, #tpu.memory_space<hbm>>) target(%dma_start3A_7 : memref<8x4096xf32, #tpu.memory_space<vmem>>) offsets(%dma_start3A_9 : memref<8xi32, #tpu.memory_space<vmem>>) semaphore(%dma_start3A_14 : memref<!tpu.dma_semaphore, #tpu.memory_space<semaphore_mem>>)
    %dma_start3A_15 = arith.constant 1 : i32
    %dma_start3A_16 = arith.constant 1 : i32
    %dma_start3A_17 = arith.constant 0 : i32
    %dma_start3A_18 = arith.constant 0 : i32
    %dma_start3A_19 = tpu.memref_slice %arg6[%dma_start3A_15, %dma_start3A_17, %dma_start3A_18] : memref<3x8x4096xf32, #tpu.memory_space<vmem>> -> memref<1x8x4096xf32, #tpu.memory_space<vmem>>
    %dma_start3A_20 = tpu.memref_squeeze %dma_start3A_19 : memref<1x8x4096xf32, #tpu.memory_space<vmem>> -> memref<8x4096xf32, #tpu.memory_space<vmem>>
    %dma_start3A_21 = arith.constant 8 : i32
    %dma_start3A_22 = tpu.memref_slice %arg5[%dma_start3A_21] : memref<512xi32, #tpu.memory_space<vmem>> -> memref<8xi32, #tpu.memory_space<vmem>>
    %dma_start3A_23 = arith.constant 0 : i32
    %dma_start3A_24 = arith.constant 0 : i32
    %dma_start3A_25 = tpu.memref_slice %arg3[%dma_start3A_23, %dma_start3A_24] : memref<4096x4096xf32, #tpu.memory_space<hbm>> -> memref<4096x4096xf32, #tpu.memory_space<hbm>>
    %dma_start3A_26 = tpu.memref_slice %arg7[%dma_start3A_16] : memref<3x!tpu.dma_semaphore, #tpu.memory_space<semaphore_mem>> -> memref<1x!tpu.dma_semaphore, #tpu.memory_space<semaphore_mem>>
    %dma_start3A_27 = tpu.memref_squeeze %dma_start3A_26 : memref<1x!tpu.dma_semaphore, #tpu.memory_space<semaphore_mem>> -> memref<!tpu.dma_semaphore, #tpu.memory_space<semaphore_mem>>
    tpu.enqueue_indirect_dma source(%dma_start3A_25 : memref<4096x4096xf32, #tpu.memory_space<hbm>>) target(%dma_start3A_20 : memref<8x4096xf32, #tpu.memory_space<vmem>>) offsets(%dma_start3A_22 : memref<8xi32, #tpu.memory_space<vmem>>) semaphore(%dma_start3A_27 : memref<!tpu.dma_semaphore, #tpu.memory_space<semaphore_mem>>)
    %dma_start3A_28 = arith.constant 2 : i32
    %dma_start3A_29 = arith.constant 2 : i32
    %dma_start3A_30 = arith.constant 0 : i32
    %dma_start3A_31 = arith.constant 0 : i32
    %dma_start3A_32 = tpu.memref_slice %arg6[%dma_start3A_28, %dma_start3A_30, %dma_start3A_31] : memref<3x8x4096xf32, #tpu.memory_space<vmem>> -> memref<1x8x4096xf32, #tpu.memory_space<vmem>>
    %dma_start3A_33 = tpu.memref_squeeze %dma_start3A_32 : memref<1x8x4096xf32, #tpu.memory_space<vmem>> -> memref<8x4096xf32, #tpu.memory_space<vmem>>
    %dma_start3A_34 = arith.constant 16 : i32
    %dma_start3A_35 = tpu.memref_slice %arg5[%dma_start3A_34] : memref<512xi32, #tpu.memory_space<vmem>> -> memref<8xi32, #tpu.memory_space<vmem>>
    %dma_start3A_36 = arith.constant 0 : i32
    %dma_start3A_37 = arith.constant 0 : i32
    %dma_start3A_38 = tpu.memref_slice %arg3[%dma_start3A_36, %dma_start3A_37] : memref<4096x4096xf32, #tpu.memory_space<hbm>> -> memref<4096x4096xf32, #tpu.memory_space<hbm>>
    %dma_start3A_39 = tpu.memref_slice %arg7[%dma_start3A_29] : memref<3x!tpu.dma_semaphore, #tpu.memory_space<semaphore_mem>> -> memref<1x!tpu.dma_semaphore, #tpu.memory_space<semaphore_mem>>
    %dma_start3A_40 = tpu.memref_squeeze %dma_start3A_39 : memref<1x!tpu.dma_semaphore, #tpu.memory_space<semaphore_mem>> -> memref<!tpu.dma_semaphore, #tpu.memory_space<semaphore_mem>>
    tpu.enqueue_indirect_dma source(%dma_start3A_38 : memref<4096x4096xf32, #tpu.memory_space<hbm>>) target(%dma_start3A_33 : memref<8x4096xf32, #tpu.memory_space<vmem>>) offsets(%dma_start3A_35 : memref<8xi32, #tpu.memory_space<vmem>>) semaphore(%dma_start3A_40 : memref<!tpu.dma_semaphore, #tpu.memory_space<semaphore_mem>>)
    %scan3A = arith.constant 0 : i32
    %scan3A_41 = arith.constant 0 : i32
    %scan3A_42 = arith.constant 21 : i32
    %scan3A_43 = arith.addi %scan3A_41, %scan3A_42 : i32
    %scan3A_44 = arith.constant 1 : i32
    scf.for %scan3A_94 = %scan3A_41 to %scan3A_43 step %scan3A_44  : i32 {
      %mul3A_95 = arith.constant 3 : i32
      %mul3A_96 = arith.muli %mul3A_95, %scan3A_94 : i32
      %add3A_97 = arith.constant 0 : i32
      %add3A_98 = arith.addi %mul3A_96, %add3A_97 : i32
      %mul3A_99 = arith.constant 8 : i32
      %mul3A_100 = arith.muli %add3A_98, %mul3A_99 : i32
      %dma_wait3A_101 = arith.constant 0 : i32
      %dma_wait3A_102 = arith.constant 0 : i32
      %dma_wait3A_103 = arith.constant 0 : i32
      %dma_wait3A_104 = arith.constant 0 : i32
      %dma_wait3A_105 = tpu.memref_slice %arg6[%dma_wait3A_101, %dma_wait3A_103, %dma_wait3A_104] : memref<3x8x4096xf32, #tpu.memory_space<vmem>> -> memref<1x8x4096xf32, #tpu.memory_space<vmem>>
      %dma_wait3A_106 = tpu.memref_squeeze %dma_wait3A_105 : memref<1x8x4096xf32, #tpu.memory_space<vmem>> -> memref<8x4096xf32, #tpu.memory_space<vmem>>
      %dma_wait3A_107 = tpu.memref_slice %arg5[%mul3A_100] : memref<512xi32, #tpu.memory_space<vmem>> -> memref<8xi32, #tpu.memory_space<vmem>>
      %dma_wait3A_108 = arith.constant 0 : i32
      %dma_wait3A_109 = arith.constant 0 : i32
      %dma_wait3A_110 = tpu.memref_slice %arg3[%dma_wait3A_108, %dma_wait3A_109] : memref<4096x4096xf32, #tpu.memory_space<hbm>> -> memref<4096x4096xf32, #tpu.memory_space<hbm>>
      %dma_wait3A_111 = tpu.memref_slice %arg7[%dma_wait3A_102] : memref<3x!tpu.dma_semaphore, #tpu.memory_space<semaphore_mem>> -> memref<1x!tpu.dma_semaphore, #tpu.memory_space<semaphore_mem>>
      %dma_wait3A_112 = tpu.memref_squeeze %dma_wait3A_111 : memref<1x!tpu.dma_semaphore, #tpu.memory_space<semaphore_mem>> -> memref<!tpu.dma_semaphore, #tpu.memory_space<semaphore_mem>>
      tpu.wait_indirect_dma semaphore(%dma_wait3A_112 : memref<!tpu.dma_semaphore, #tpu.memory_space<semaphore_mem>>) src(%dma_wait3A_110 : memref<4096x4096xf32, #tpu.memory_space<hbm>>) dst(%dma_wait3A_106 : memref<8x4096xf32, #tpu.memory_space<vmem>>)
      %mul3A_113 = arith.constant 8 : i32
      %mul3A_114 = arith.muli %add3A_98, %mul3A_113 : i32
      %add3A_115 = arith.addi %mul3A_2, %mul3A_114 : i32
      %dma_start3A_116 = arith.constant 0 : i32
      %dma_start3A_117 = arith.constant 0 : i32
      %dma_start3A_118 = arith.constant 0 : i32
      %dma_start3A_119 = arith.constant 0 : i32
      %dma_start3A_120 = tpu.memref_slice %arg6[%dma_start3A_116, %dma_start3A_118, %dma_start3A_119] : memref<3x8x4096xf32, #tpu.memory_space<vmem>> -> memref<1x8x4096xf32, #tpu.memory_space<vmem>>
      %dma_start3A_121 = tpu.memref_squeeze %dma_start3A_120 : memref<1x8x4096xf32, #tpu.memory_space<vmem>> -> memref<8x4096xf32, #tpu.memory_space<vmem>>
      %dma_start3A_122 = arith.constant 0 : i32
      %dma_start3A_123 = tpu.memref_slice %arg4[%add3A_115, %dma_start3A_122] : memref<16384x4096xf32, #tpu.memory_space<hbm>> -> memref<8x4096xf32, #tpu.memory_space<hbm>>
      %dma_start3A_124 = tpu.memref_slice %arg8[%dma_start3A_117] : memref<3x!tpu.dma_semaphore, #tpu.memory_space<semaphore_mem>> -> memref<1x!tpu.dma_semaphore, #tpu.memory_space<semaphore_mem>>
      %dma_start3A_125 = tpu.memref_squeeze %dma_start3A_124 : memref<1x!tpu.dma_semaphore, #tpu.memory_space<semaphore_mem>> -> memref<!tpu.dma_semaphore, #tpu.memory_space<semaphore_mem>>
      %dma_start3A_126 = arith.constant 0 : i32
      %dma_start3A_127 = tpu.memref_slice %arg4[%add3A_115, %dma_start3A_126] : memref<16384x4096xf32, #tpu.memory_space<hbm>> -> memref<8x4096xf32, #tpu.memory_space<hbm>>
      %dma_start3A_128 = arith.constant 0 : i32
      %dma_start3A_129 = arith.constant 0 : i32
      %dma_start3A_130 = tpu.memref_slice %arg6[%dma_start3A_116, %dma_start3A_128, %dma_start3A_129] : memref<3x8x4096xf32, #tpu.memory_space<vmem>> -> memref<1x8x4096xf32, #tpu.memory_space<vmem>>
      %dma_start3A_131 = tpu.memref_squeeze %dma_start3A_130 : memref<1x8x4096xf32, #tpu.memory_space<vmem>> -> memref<8x4096xf32, #tpu.memory_space<vmem>>
      tpu.enqueue_dma source(%dma_start3A_131 : memref<8x4096xf32, #tpu.memory_space<vmem>>) target(%dma_start3A_127 : memref<8x4096xf32, #tpu.memory_space<hbm>>) target_semaphore(%dma_start3A_125 : memref<!tpu.dma_semaphore, #tpu.memory_space<semaphore_mem>>)
      %mul3A_132 = arith.constant 8 : i32
      %mul3A_133 = arith.muli %add3A_98, %mul3A_132 : i32
      %add3A_134 = arith.addi %mul3A_2, %mul3A_133 : i32
      %dma_wait3A_135 = arith.constant 0 : i32
      %dma_wait3A_136 = arith.constant 0 : i32
      %dma_wait3A_137 = arith.constant 0 : i32
      %dma_wait3A_138 = arith.constant 0 : i32
      %dma_wait3A_139 = tpu.memref_slice %arg6[%dma_wait3A_135, %dma_wait3A_137, %dma_wait3A_138] : memref<3x8x4096xf32, #tpu.memory_space<vmem>> -> memref<1x8x4096xf32, #tpu.memory_space<vmem>>
      %dma_wait3A_140 = tpu.memref_squeeze %dma_wait3A_139 : memref<1x8x4096xf32, #tpu.memory_space<vmem>> -> memref<8x4096xf32, #tpu.memory_space<vmem>>
      %dma_wait3A_141 = arith.constant 0 : i32
      %dma_wait3A_142 = tpu.memref_slice %arg4[%add3A_134, %dma_wait3A_141] : memref<16384x4096xf32, #tpu.memory_space<hbm>> -> memref<8x4096xf32, #tpu.memory_space<hbm>>
      %dma_wait3A_143 = tpu.memref_slice %arg8[%dma_wait3A_136] : memref<3x!tpu.dma_semaphore, #tpu.memory_space<semaphore_mem>> -> memref<1x!tpu.dma_semaphore, #tpu.memory_space<semaphore_mem>>
      %dma_wait3A_144 = tpu.memref_squeeze %dma_wait3A_143 : memref<1x!tpu.dma_semaphore, #tpu.memory_space<semaphore_mem>> -> memref<!tpu.dma_semaphore, #tpu.memory_space<semaphore_mem>>
      %dma_wait3A_145 = arith.constant 0 : i32
      %dma_wait3A_146 = tpu.memref_slice %arg4[%add3A_134, %dma_wait3A_145] : memref<16384x4096xf32, #tpu.memory_space<hbm>> -> memref<8x4096xf32, #tpu.memory_space<hbm>>
      %dma_wait3A_147 = arith.constant 0 : i32
      %dma_wait3A_148 = arith.constant 0 : i32
      %dma_wait3A_149 = tpu.memref_slice %arg6[%dma_wait3A_135, %dma_wait3A_147, %dma_wait3A_148] : memref<3x8x4096xf32, #tpu.memory_space<vmem>> -> memref<1x8x4096xf32, #tpu.memory_space<vmem>>
      %dma_wait3A_150 = tpu.memref_squeeze %dma_wait3A_149 : memref<1x8x4096xf32, #tpu.memory_space<vmem>> -> memref<8x4096xf32, #tpu.memory_space<vmem>>
      tpu.wait_dma2 semaphore(%dma_wait3A_144 : memref<!tpu.dma_semaphore, #tpu.memory_space<semaphore_mem>>) src(%dma_wait3A_150 : memref<8x4096xf32, #tpu.memory_space<vmem>>) dst(%dma_wait3A_146 : memref<8x4096xf32, #tpu.memory_space<hbm>>)
      %add3A_151 = arith.constant 3 : i32
      %add3A_152 = arith.addi %add3A_98, %add3A_151 : i32
      %lt3A = arith.constant 64 : i32
      %lt3A_153 = arith.cmpi slt, %add3A_152, %lt3A : i32
      %convert_element_type3A = arith.extui %lt3A_153 : i1 to i32
      %cond3A = arith.constant 0 : i32
      %cond3A_154 = arith.cmpi ne, %convert_element_type3A, %cond3A : i32
      scf.if %cond3A_154 {
        %add3A_277 = arith.constant 3 : i32
        %add3A_278 = arith.addi %add3A_98, %add3A_277 : i32
        %mul3A_279 = arith.constant 8 : i32
        %mul3A_280 = arith.muli %add3A_278, %mul3A_279 : i32
        %dma_start3A_281 = arith.constant 0 : i32
        %dma_start3A_282 = arith.constant 0 : i32
        %dma_start3A_283 = arith.constant 0 : i32
        %dma_start3A_284 = arith.constant 0 : i32
        %dma_start3A_285 = tpu.memref_slice %arg6[%dma_start3A_281, %dma_start3A_283, %dma_start3A_284] : memref<3x8x4096xf32, #tpu.memory_space<vmem>> -> memref<1x8x4096xf32, #tpu.memory_space<vmem>>
        %dma_start3A_286 = tpu.memref_squeeze %dma_start3A_285 : memref<1x8x4096xf32, #tpu.memory_space<vmem>> -> memref<8x4096xf32, #tpu.memory_space<vmem>>
        %dma_start3A_287 = tpu.memref_slice %arg5[%mul3A_280] : memref<512xi32, #tpu.memory_space<vmem>> -> memref<8xi32, #tpu.memory_space<vmem>>
        %dma_start3A_288 = arith.constant 0 : i32
        %dma_start3A_289 = arith.constant 0 : i32
        %dma_start3A_290 = tpu.memref_slice %arg3[%dma_start3A_288, %dma_start3A_289] : memref<4096x4096xf32, #tpu.memory_space<hbm>> -> memref<4096x4096xf32, #tpu.memory_space<hbm>>
        %dma_start3A_291 = tpu.memref_slice %arg7[%dma_start3A_282] : memref<3x!tpu.dma_semaphore, #tpu.memory_space<semaphore_mem>> -> memref<1x!tpu.dma_semaphore, #tpu.memory_space<semaphore_mem>>
        %dma_start3A_292 = tpu.memref_squeeze %dma_start3A_291 : memref<1x!tpu.dma_semaphore, #tpu.memory_space<semaphore_mem>> -> memref<!tpu.dma_semaphore, #tpu.memory_space<semaphore_mem>>
        tpu.enqueue_indirect_dma source(%dma_start3A_290 : memref<4096x4096xf32, #tpu.memory_space<hbm>>) target(%dma_start3A_286 : memref<8x4096xf32, #tpu.memory_space<vmem>>) offsets(%dma_start3A_287 : memref<8xi32, #tpu.memory_space<vmem>>) semaphore(%dma_start3A_292 : memref<!tpu.dma_semaphore, #tpu.memory_space<semaphore_mem>>)
      } else {
      }
      %add3A_155 = arith.constant 1 : i32
      %add3A_156 = arith.addi %mul3A_96, %add3A_155 : i32
      %mul3A_157 = arith.constant 8 : i32
      %mul3A_158 = arith.muli %add3A_156, %mul3A_157 : i32
      %dma_wait3A_159 = arith.constant 1 : i32
      %dma_wait3A_160 = arith.constant 1 : i32
      %dma_wait3A_161 = arith.constant 0 : i32
      %dma_wait3A_162 = arith.constant 0 : i32
      %dma_wait3A_163 = tpu.memref_slice %arg6[%dma_wait3A_159, %dma_wait3A_161, %dma_wait3A_162] : memref<3x8x4096xf32, #tpu.memory_space<vmem>> -> memref<1x8x4096xf32, #tpu.memory_space<vmem>>
      %dma_wait3A_164 = tpu.memref_squeeze %dma_wait3A_163 : memref<1x8x4096xf32, #tpu.memory_space<vmem>> -> memref<8x4096xf32, #tpu.memory_space<vmem>>
      %dma_wait3A_165 = tpu.memref_slice %arg5[%mul3A_158] : memref<512xi32, #tpu.memory_space<vmem>> -> memref<8xi32, #tpu.memory_space<vmem>>
      %dma_wait3A_166 = arith.constant 0 : i32
      %dma_wait3A_167 = arith.constant 0 : i32
      %dma_wait3A_168 = tpu.memref_slice %arg3[%dma_wait3A_166, %dma_wait3A_167] : memref<4096x4096xf32, #tpu.memory_space<hbm>> -> memref<4096x4096xf32, #tpu.memory_space<hbm>>
      %dma_wait3A_169 = tpu.memref_slice %arg7[%dma_wait3A_160] : memref<3x!tpu.dma_semaphore, #tpu.memory_space<semaphore_mem>> -> memref<1x!tpu.dma_semaphore, #tpu.memory_space<semaphore_mem>>
      %dma_wait3A_170 = tpu.memref_squeeze %dma_wait3A_169 : memref<1x!tpu.dma_semaphore, #tpu.memory_space<semaphore_mem>> -> memref<!tpu.dma_semaphore, #tpu.memory_space<semaphore_mem>>
      tpu.wait_indirect_dma semaphore(%dma_wait3A_170 : memref<!tpu.dma_semaphore, #tpu.memory_space<semaphore_mem>>) src(%dma_wait3A_168 : memref<4096x4096xf32, #tpu.memory_space<hbm>>) dst(%dma_wait3A_164 : memref<8x4096xf32, #tpu.memory_space<vmem>>)
      %mul3A_171 = arith.constant 8 : i32
      %mul3A_172 = arith.muli %add3A_156, %mul3A_171 : i32
      %add3A_173 = arith.addi %mul3A_2, %mul3A_172 : i32
      %dma_start3A_174 = arith.constant 1 : i32
      %dma_start3A_175 = arith.constant 1 : i32
      %dma_start3A_176 = arith.constant 0 : i32
      %dma_start3A_177 = arith.constant 0 : i32
      %dma_start3A_178 = tpu.memref_slice %arg6[%dma_start3A_174, %dma_start3A_176, %dma_start3A_177] : memref<3x8x4096xf32, #tpu.memory_space<vmem>> -> memref<1x8x4096xf32, #tpu.memory_space<vmem>>
      %dma_start3A_179 = tpu.memref_squeeze %dma_start3A_178 : memref<1x8x4096xf32, #tpu.memory_space<vmem>> -> memref<8x4096xf32, #tpu.memory_space<vmem>>
      %dma_start3A_180 = arith.constant 0 : i32
      %dma_start3A_181 = tpu.memref_slice %arg4[%add3A_173, %dma_start3A_180] : memref<16384x4096xf32, #tpu.memory_space<hbm>> -> memref<8x4096xf32, #tpu.memory_space<hbm>>
      %dma_start3A_182 = tpu.memref_slice %arg8[%dma_start3A_175] : memref<3x!tpu.dma_semaphore, #tpu.memory_space<semaphore_mem>> -> memref<1x!tpu.dma_semaphore, #tpu.memory_space<semaphore_mem>>
      %dma_start3A_183 = tpu.memref_squeeze %dma_start3A_182 : memref<1x!tpu.dma_semaphore, #tpu.memory_space<semaphore_mem>> -> memref<!tpu.dma_semaphore, #tpu.memory_space<semaphore_mem>>
      %dma_start3A_184 = arith.constant 0 : i32
      %dma_start3A_185 = tpu.memref_slice %arg4[%add3A_173, %dma_start3A_184] : memref<16384x4096xf32, #tpu.memory_space<hbm>> -> memref<8x4096xf32, #tpu.memory_space<hbm>>
      %dma_start3A_186 = arith.constant 0 : i32
      %dma_start3A_187 = arith.constant 0 : i32
      %dma_start3A_188 = tpu.memref_slice %arg6[%dma_start3A_174, %dma_start3A_186, %dma_start3A_187] : memref<3x8x4096xf32, #tpu.memory_space<vmem>> -> memref<1x8x4096xf32, #tpu.memory_space<vmem>>
      %dma_start3A_189 = tpu.memref_squeeze %dma_start3A_188 : memref<1x8x4096xf32, #tpu.memory_space<vmem>> -> memref<8x4096xf32, #tpu.memory_space<vmem>>
      tpu.enqueue_dma source(%dma_start3A_189 : memref<8x4096xf32, #tpu.memory_space<vmem>>) target(%dma_start3A_185 : memref<8x4096xf32, #tpu.memory_space<hbm>>) target_semaphore(%dma_start3A_183 : memref<!tpu.dma_semaphore, #tpu.memory_space<semaphore_mem>>)
      %mul3A_190 = arith.constant 8 : i32
      %mul3A_191 = arith.muli %add3A_156, %mul3A_190 : i32
      %add3A_192 = arith.addi %mul3A_2, %mul3A_191 : i32
      %dma_wait3A_193 = arith.constant 1 : i32
      %dma_wait3A_194 = arith.constant 1 : i32
      %dma_wait3A_195 = arith.constant 0 : i32
      %dma_wait3A_196 = arith.constant 0 : i32
      %dma_wait3A_197 = tpu.memref_slice %arg6[%dma_wait3A_193, %dma_wait3A_195, %dma_wait3A_196] : memref<3x8x4096xf32, #tpu.memory_space<vmem>> -> memref<1x8x4096xf32, #tpu.memory_space<vmem>>
      %dma_wait3A_198 = tpu.memref_squeeze %dma_wait3A_197 : memref<1x8x4096xf32, #tpu.memory_space<vmem>> -> memref<8x4096xf32, #tpu.memory_space<vmem>>
      %dma_wait3A_199 = arith.constant 0 : i32
      %dma_wait3A_200 = tpu.memref_slice %arg4[%add3A_192, %dma_wait3A_199] : memref<16384x4096xf32, #tpu.memory_space<hbm>> -> memref<8x4096xf32, #tpu.memory_space<hbm>>
      %dma_wait3A_201 = tpu.memref_slice %arg8[%dma_wait3A_194] : memref<3x!tpu.dma_semaphore, #tpu.memory_space<semaphore_mem>> -> memref<1x!tpu.dma_semaphore, #tpu.memory_space<semaphore_mem>>
      %dma_wait3A_202 = tpu.memref_squeeze %dma_wait3A_201 : memref<1x!tpu.dma_semaphore, #tpu.memory_space<semaphore_mem>> -> memref<!tpu.dma_semaphore, #tpu.memory_space<semaphore_mem>>
      %dma_wait3A_203 = arith.constant 0 : i32
      %dma_wait3A_204 = tpu.memref_slice %arg4[%add3A_192, %dma_wait3A_203] : memref<16384x4096xf32, #tpu.memory_space<hbm>> -> memref<8x4096xf32, #tpu.memory_space<hbm>>
      %dma_wait3A_205 = arith.constant 0 : i32
      %dma_wait3A_206 = arith.constant 0 : i32
      %dma_wait3A_207 = tpu.memref_slice %arg6[%dma_wait3A_193, %dma_wait3A_205, %dma_wait3A_206] : memref<3x8x4096xf32, #tpu.memory_space<vmem>> -> memref<1x8x4096xf32, #tpu.memory_space<vmem>>
      %dma_wait3A_208 = tpu.memref_squeeze %dma_wait3A_207 : memref<1x8x4096xf32, #tpu.memory_space<vmem>> -> memref<8x4096xf32, #tpu.memory_space<vmem>>
      tpu.wait_dma2 semaphore(%dma_wait3A_202 : memref<!tpu.dma_semaphore, #tpu.memory_space<semaphore_mem>>) src(%dma_wait3A_208 : memref<8x4096xf32, #tpu.memory_space<vmem>>) dst(%dma_wait3A_204 : memref<8x4096xf32, #tpu.memory_space<hbm>>)
      %add3A_209 = arith.constant 3 : i32
      %add3A_210 = arith.addi %add3A_156, %add3A_209 : i32
      %lt3A_211 = arith.constant 64 : i32
      %lt3A_212 = arith.cmpi slt, %add3A_210, %lt3A_211 : i32
      %convert_element_type3A_213 = arith.extui %lt3A_212 : i1 to i32
      %cond3A_214 = arith.constant 0 : i32
      %cond3A_215 = arith.cmpi ne, %convert_element_type3A_213, %cond3A_214 : i32
      scf.if %cond3A_215 {
        %add3A_277 = arith.constant 3 : i32
        %add3A_278 = arith.addi %add3A_156, %add3A_277 : i32
        %mul3A_279 = arith.constant 8 : i32
        %mul3A_280 = arith.muli %add3A_278, %mul3A_279 : i32
        %dma_start3A_281 = arith.constant 1 : i32
        %dma_start3A_282 = arith.constant 1 : i32
        %dma_start3A_283 = arith.constant 0 : i32
        %dma_start3A_284 = arith.constant 0 : i32
        %dma_start3A_285 = tpu.memref_slice %arg6[%dma_start3A_281, %dma_start3A_283, %dma_start3A_284] : memref<3x8x4096xf32, #tpu.memory_space<vmem>> -> memref<1x8x4096xf32, #tpu.memory_space<vmem>>
        %dma_start3A_286 = tpu.memref_squeeze %dma_start3A_285 : memref<1x8x4096xf32, #tpu.memory_space<vmem>> -> memref<8x4096xf32, #tpu.memory_space<vmem>>
        %dma_start3A_287 = tpu.memref_slice %arg5[%mul3A_280] : memref<512xi32, #tpu.memory_space<vmem>> -> memref<8xi32, #tpu.memory_space<vmem>>
        %dma_start3A_288 = arith.constant 0 : i32
        %dma_start3A_289 = arith.constant 0 : i32
        %dma_start3A_290 = tpu.memref_slice %arg3[%dma_start3A_288, %dma_start3A_289] : memref<4096x4096xf32, #tpu.memory_space<hbm>> -> memref<4096x4096xf32, #tpu.memory_space<hbm>>
        %dma_start3A_291 = tpu.memref_slice %arg7[%dma_start3A_282] : memref<3x!tpu.dma_semaphore, #tpu.memory_space<semaphore_mem>> -> memref<1x!tpu.dma_semaphore, #tpu.memory_space<semaphore_mem>>
        %dma_start3A_292 = tpu.memref_squeeze %dma_start3A_291 : memref<1x!tpu.dma_semaphore, #tpu.memory_space<semaphore_mem>> -> memref<!tpu.dma_semaphore, #tpu.memory_space<semaphore_mem>>
        tpu.enqueue_indirect_dma source(%dma_start3A_290 : memref<4096x4096xf32, #tpu.memory_space<hbm>>) target(%dma_start3A_286 : memref<8x4096xf32, #tpu.memory_space<vmem>>) offsets(%dma_start3A_287 : memref<8xi32, #tpu.memory_space<vmem>>) semaphore(%dma_start3A_292 : memref<!tpu.dma_semaphore, #tpu.memory_space<semaphore_mem>>)
      } else {
      }
      %add3A_216 = arith.constant 2 : i32
      %add3A_217 = arith.addi %mul3A_96, %add3A_216 : i32
      %mul3A_218 = arith.constant 8 : i32
      %mul3A_219 = arith.muli %add3A_217, %mul3A_218 : i32
      %dma_wait3A_220 = arith.constant 2 : i32
      %dma_wait3A_221 = arith.constant 2 : i32
      %dma_wait3A_222 = arith.constant 0 : i32
      %dma_wait3A_223 = arith.constant 0 : i32
      %dma_wait3A_224 = tpu.memref_slice %arg6[%dma_wait3A_220, %dma_wait3A_222, %dma_wait3A_223] : memref<3x8x4096xf32, #tpu.memory_space<vmem>> -> memref<1x8x4096xf32, #tpu.memory_space<vmem>>
      %dma_wait3A_225 = tpu.memref_squeeze %dma_wait3A_224 : memref<1x8x4096xf32, #tpu.memory_space<vmem>> -> memref<8x4096xf32, #tpu.memory_space<vmem>>
      %dma_wait3A_226 = tpu.memref_slice %arg5[%mul3A_219] : memref<512xi32, #tpu.memory_space<vmem>> -> memref<8xi32, #tpu.memory_space<vmem>>
      %dma_wait3A_227 = arith.constant 0 : i32
      %dma_wait3A_228 = arith.constant 0 : i32
      %dma_wait3A_229 = tpu.memref_slice %arg3[%dma_wait3A_227, %dma_wait3A_228] : memref<4096x4096xf32, #tpu.memory_space<hbm>> -> memref<4096x4096xf32, #tpu.memory_space<hbm>>
      %dma_wait3A_230 = tpu.memref_slice %arg7[%dma_wait3A_221] : memref<3x!tpu.dma_semaphore, #tpu.memory_space<semaphore_mem>> -> memref<1x!tpu.dma_semaphore, #tpu.memory_space<semaphore_mem>>
      %dma_wait3A_231 = tpu.memref_squeeze %dma_wait3A_230 : memref<1x!tpu.dma_semaphore, #tpu.memory_space<semaphore_mem>> -> memref<!tpu.dma_semaphore, #tpu.memory_space<semaphore_mem>>
      tpu.wait_indirect_dma semaphore(%dma_wait3A_231 : memref<!tpu.dma_semaphore, #tpu.memory_space<semaphore_mem>>) src(%dma_wait3A_229 : memref<4096x4096xf32, #tpu.memory_space<hbm>>) dst(%dma_wait3A_225 : memref<8x4096xf32, #tpu.memory_space<vmem>>)
      %mul3A_232 = arith.constant 8 : i32
      %mul3A_233 = arith.muli %add3A_217, %mul3A_232 : i32
      %add3A_234 = arith.addi %mul3A_2, %mul3A_233 : i32
      %dma_start3A_235 = arith.constant 2 : i32
      %dma_start3A_236 = arith.constant 2 : i32
      %dma_start3A_237 = arith.constant 0 : i32
      %dma_start3A_238 = arith.constant 0 : i32
      %dma_start3A_239 = tpu.memref_slice %arg6[%dma_start3A_235, %dma_start3A_237, %dma_start3A_238] : memref<3x8x4096xf32, #tpu.memory_space<vmem>> -> memref<1x8x4096xf32, #tpu.memory_space<vmem>>
      %dma_start3A_240 = tpu.memref_squeeze %dma_start3A_239 : memref<1x8x4096xf32, #tpu.memory_space<vmem>> -> memref<8x4096xf32, #tpu.memory_space<vmem>>
      %dma_start3A_241 = arith.constant 0 : i32
      %dma_start3A_242 = tpu.memref_slice %arg4[%add3A_234, %dma_start3A_241] : memref<16384x4096xf32, #tpu.memory_space<hbm>> -> memref<8x4096xf32, #tpu.memory_space<hbm>>
      %dma_start3A_243 = tpu.memref_slice %arg8[%dma_start3A_236] : memref<3x!tpu.dma_semaphore, #tpu.memory_space<semaphore_mem>> -> memref<1x!tpu.dma_semaphore, #tpu.memory_space<semaphore_mem>>
      %dma_start3A_244 = tpu.memref_squeeze %dma_start3A_243 : memref<1x!tpu.dma_semaphore, #tpu.memory_space<semaphore_mem>> -> memref<!tpu.dma_semaphore, #tpu.memory_space<semaphore_mem>>
      %dma_start3A_245 = arith.constant 0 : i32
      %dma_start3A_246 = tpu.memref_slice %arg4[%add3A_234, %dma_start3A_245] : memref<16384x4096xf32, #tpu.memory_space<hbm>> -> memref<8x4096xf32, #tpu.memory_space<hbm>>
      %dma_start3A_247 = arith.constant 0 : i32
      %dma_start3A_248 = arith.constant 0 : i32
      %dma_start3A_249 = tpu.memref_slice %arg6[%dma_start3A_235, %dma_start3A_247, %dma_start3A_248] : memref<3x8x4096xf32, #tpu.memory_space<vmem>> -> memref<1x8x4096xf32, #tpu.memory_space<vmem>>
      %dma_start3A_250 = tpu.memref_squeeze %dma_start3A_249 : memref<1x8x4096xf32, #tpu.memory_space<vmem>> -> memref<8x4096xf32, #tpu.memory_space<vmem>>
      tpu.enqueue_dma source(%dma_start3A_250 : memref<8x4096xf32, #tpu.memory_space<vmem>>) target(%dma_start3A_246 : memref<8x4096xf32, #tpu.memory_space<hbm>>) target_semaphore(%dma_start3A_244 : memref<!tpu.dma_semaphore, #tpu.memory_space<semaphore_mem>>)
      %mul3A_251 = arith.constant 8 : i32
      %mul3A_252 = arith.muli %add3A_217, %mul3A_251 : i32
      %add3A_253 = arith.addi %mul3A_2, %mul3A_252 : i32
      %dma_wait3A_254 = arith.constant 2 : i32
      %dma_wait3A_255 = arith.constant 2 : i32
      %dma_wait3A_256 = arith.constant 0 : i32
      %dma_wait3A_257 = arith.constant 0 : i32
      %dma_wait3A_258 = tpu.memref_slice %arg6[%dma_wait3A_254, %dma_wait3A_256, %dma_wait3A_257] : memref<3x8x4096xf32, #tpu.memory_space<vmem>> -> memref<1x8x4096xf32, #tpu.memory_space<vmem>>
      %dma_wait3A_259 = tpu.memref_squeeze %dma_wait3A_258 : memref<1x8x4096xf32, #tpu.memory_space<vmem>> -> memref<8x4096xf32, #tpu.memory_space<vmem>>
      %dma_wait3A_260 = arith.constant 0 : i32
      %dma_wait3A_261 = tpu.memref_slice %arg4[%add3A_253, %dma_wait3A_260] : memref<16384x4096xf32, #tpu.memory_space<hbm>> -> memref<8x4096xf32, #tpu.memory_space<hbm>>
      %dma_wait3A_262 = tpu.memref_slice %arg8[%dma_wait3A_255] : memref<3x!tpu.dma_semaphore, #tpu.memory_space<semaphore_mem>> -> memref<1x!tpu.dma_semaphore, #tpu.memory_space<semaphore_mem>>
      %dma_wait3A_263 = tpu.memref_squeeze %dma_wait3A_262 : memref<1x!tpu.dma_semaphore, #tpu.memory_space<semaphore_mem>> -> memref<!tpu.dma_semaphore, #tpu.memory_space<semaphore_mem>>
      %dma_wait3A_264 = arith.constant 0 : i32
      %dma_wait3A_265 = tpu.memref_slice %arg4[%add3A_253, %dma_wait3A_264] : memref<16384x4096xf32, #tpu.memory_space<hbm>> -> memref<8x4096xf32, #tpu.memory_space<hbm>>
      %dma_wait3A_266 = arith.constant 0 : i32
      %dma_wait3A_267 = arith.constant 0 : i32
      %dma_wait3A_268 = tpu.memref_slice %arg6[%dma_wait3A_254, %dma_wait3A_266, %dma_wait3A_267] : memref<3x8x4096xf32, #tpu.memory_space<vmem>> -> memref<1x8x4096xf32, #tpu.memory_space<vmem>>
      %dma_wait3A_269 = tpu.memref_squeeze %dma_wait3A_268 : memref<1x8x4096xf32, #tpu.memory_space<vmem>> -> memref<8x4096xf32, #tpu.memory_space<vmem>>
      tpu.wait_dma2 semaphore(%dma_wait3A_263 : memref<!tpu.dma_semaphore, #tpu.memory_space<semaphore_mem>>) src(%dma_wait3A_269 : memref<8x4096xf32, #tpu.memory_space<vmem>>) dst(%dma_wait3A_265 : memref<8x4096xf32, #tpu.memory_space<hbm>>)
      %add3A_270 = arith.constant 3 : i32
      %add3A_271 = arith.addi %add3A_217, %add3A_270 : i32
      %lt3A_272 = arith.constant 64 : i32
      %lt3A_273 = arith.cmpi slt, %add3A_271, %lt3A_272 : i32
      %convert_element_type3A_274 = arith.extui %lt3A_273 : i1 to i32
      %cond3A_275 = arith.constant 0 : i32
      %cond3A_276 = arith.cmpi ne, %convert_element_type3A_274, %cond3A_275 : i32
      scf.if %cond3A_276 {
        %add3A_277 = arith.constant 3 : i32
        %add3A_278 = arith.addi %add3A_217, %add3A_277 : i32
        %mul3A_279 = arith.constant 8 : i32
        %mul3A_280 = arith.muli %add3A_278, %mul3A_279 : i32
        %dma_start3A_281 = arith.constant 2 : i32
        %dma_start3A_282 = arith.constant 2 : i32
        %dma_start3A_283 = arith.constant 0 : i32
        %dma_start3A_284 = arith.constant 0 : i32
        %dma_start3A_285 = tpu.memref_slice %arg6[%dma_start3A_281, %dma_start3A_283, %dma_start3A_284] : memref<3x8x4096xf32, #tpu.memory_space<vmem>> -> memref<1x8x4096xf32, #tpu.memory_space<vmem>>
        %dma_start3A_286 = tpu.memref_squeeze %dma_start3A_285 : memref<1x8x4096xf32, #tpu.memory_space<vmem>> -> memref<8x4096xf32, #tpu.memory_space<vmem>>
        %dma_start3A_287 = tpu.memref_slice %arg5[%mul3A_280] : memref<512xi32, #tpu.memory_space<vmem>> -> memref<8xi32, #tpu.memory_space<vmem>>
        %dma_start3A_288 = arith.constant 0 : i32
        %dma_start3A_289 = arith.constant 0 : i32
        %dma_start3A_290 = tpu.memref_slice %arg3[%dma_start3A_288, %dma_start3A_289] : memref<4096x4096xf32, #tpu.memory_space<hbm>> -> memref<4096x4096xf32, #tpu.memory_space<hbm>>
        %dma_start3A_291 = tpu.memref_slice %arg7[%dma_start3A_282] : memref<3x!tpu.dma_semaphore, #tpu.memory_space<semaphore_mem>> -> memref<1x!tpu.dma_semaphore, #tpu.memory_space<semaphore_mem>>
        %dma_start3A_292 = tpu.memref_squeeze %dma_start3A_291 : memref<1x!tpu.dma_semaphore, #tpu.memory_space<semaphore_mem>> -> memref<!tpu.dma_semaphore, #tpu.memory_space<semaphore_mem>>
        tpu.enqueue_indirect_dma source(%dma_start3A_290 : memref<4096x4096xf32, #tpu.memory_space<hbm>>) target(%dma_start3A_286 : memref<8x4096xf32, #tpu.memory_space<vmem>>) offsets(%dma_start3A_287 : memref<8xi32, #tpu.memory_space<vmem>>) semaphore(%dma_start3A_292 : memref<!tpu.dma_semaphore, #tpu.memory_space<semaphore_mem>>)
      } else {
      }
    }
    %scan3A_45 = arith.constant 21 : i32
    %dma_wait3A = arith.constant 0 : i32
    %dma_wait3A_46 = arith.constant 0 : i32
    %dma_wait3A_47 = arith.constant 0 : i32
    %dma_wait3A_48 = arith.constant 0 : i32
    %dma_wait3A_49 = tpu.memref_slice %arg6[%dma_wait3A, %dma_wait3A_47, %dma_wait3A_48] : memref<3x8x4096xf32, #tpu.memory_space<vmem>> -> memref<1x8x4096xf32, #tpu.memory_space<vmem>>
    %dma_wait3A_50 = tpu.memref_squeeze %dma_wait3A_49 : memref<1x8x4096xf32, #tpu.memory_space<vmem>> -> memref<8x4096xf32, #tpu.memory_space<vmem>>
    %dma_wait3A_51 = arith.constant 504 : i32
    %dma_wait3A_52 = tpu.memref_slice %arg5[%dma_wait3A_51] : memref<512xi32, #tpu.memory_space<vmem>> -> memref<8xi32, #tpu.memory_space<vmem>>
    %dma_wait3A_53 = arith.constant 0 : i32
    %dma_wait3A_54 = arith.constant 0 : i32
    %dma_wait3A_55 = tpu.memref_slice %arg3[%dma_wait3A_53, %dma_wait3A_54] : memref<4096x4096xf32, #tpu.memory_space<hbm>> -> memref<4096x4096xf32, #tpu.memory_space<hbm>>
    %dma_wait3A_56 = tpu.memref_slice %arg7[%dma_wait3A_46] : memref<3x!tpu.dma_semaphore, #tpu.memory_space<semaphore_mem>> -> memref<1x!tpu.dma_semaphore, #tpu.memory_space<semaphore_mem>>
    %dma_wait3A_57 = tpu.memref_squeeze %dma_wait3A_56 : memref<1x!tpu.dma_semaphore, #tpu.memory_space<semaphore_mem>> -> memref<!tpu.dma_semaphore, #tpu.memory_space<semaphore_mem>>
    tpu.wait_indirect_dma semaphore(%dma_wait3A_57 : memref<!tpu.dma_semaphore, #tpu.memory_space<semaphore_mem>>) src(%dma_wait3A_55 : memref<4096x4096xf32, #tpu.memory_space<hbm>>) dst(%dma_wait3A_50 : memref<8x4096xf32, #tpu.memory_space<vmem>>)
    %add3A_58 = arith.constant 504 : i32
    %add3A_59 = arith.addi %mul3A_2, %add3A_58 : i32
    %dma_start3A_60 = arith.constant 0 : i32
    %dma_start3A_61 = arith.constant 0 : i32
    %dma_start3A_62 = arith.constant 0 : i32
    %dma_start3A_63 = arith.constant 0 : i32
    %dma_start3A_64 = tpu.memref_slice %arg6[%dma_start3A_60, %dma_start3A_62, %dma_start3A_63] : memref<3x8x4096xf32, #tpu.memory_space<vmem>> -> memref<1x8x4096xf32, #tpu.memory_space<vmem>>
    %dma_start3A_65 = tpu.memref_squeeze %dma_start3A_64 : memref<1x8x4096xf32, #tpu.memory_space<vmem>> -> memref<8x4096xf32, #tpu.memory_space<vmem>>
    %dma_start3A_66 = arith.constant 0 : i32
    %dma_start3A_67 = tpu.memref_slice %arg4[%add3A_59, %dma_start3A_66] : memref<16384x4096xf32, #tpu.memory_space<hbm>> -> memref<8x4096xf32, #tpu.memory_space<hbm>>
    %dma_start3A_68 = tpu.memref_slice %arg8[%dma_start3A_61] : memref<3x!tpu.dma_semaphore, #tpu.memory_space<semaphore_mem>> -> memref<1x!tpu.dma_semaphore, #tpu.memory_space<semaphore_mem>>
    %dma_start3A_69 = tpu.memref_squeeze %dma_start3A_68 : memref<1x!tpu.dma_semaphore, #tpu.memory_space<semaphore_mem>> -> memref<!tpu.dma_semaphore, #tpu.memory_space<semaphore_mem>>
    %dma_start3A_70 = arith.constant 0 : i32
    %dma_start3A_71 = tpu.memref_slice %arg4[%add3A_59, %dma_start3A_70] : memref<16384x4096xf32, #tpu.memory_space<hbm>> -> memref<8x4096xf32, #tpu.memory_space<hbm>>
    %dma_start3A_72 = arith.constant 0 : i32
    %dma_start3A_73 = arith.constant 0 : i32
    %dma_start3A_74 = tpu.memref_slice %arg6[%dma_start3A_60, %dma_start3A_72, %dma_start3A_73] : memref<3x8x4096xf32, #tpu.memory_space<vmem>> -> memref<1x8x4096xf32, #tpu.memory_space<vmem>>
    %dma_start3A_75 = tpu.memref_squeeze %dma_start3A_74 : memref<1x8x4096xf32, #tpu.memory_space<vmem>> -> memref<8x4096xf32, #tpu.memory_space<vmem>>
    tpu.enqueue_dma source(%dma_start3A_75 : memref<8x4096xf32, #tpu.memory_space<vmem>>) target(%dma_start3A_71 : memref<8x4096xf32, #tpu.memory_space<hbm>>) target_semaphore(%dma_start3A_69 : memref<!tpu.dma_semaphore, #tpu.memory_space<semaphore_mem>>)
    %add3A_76 = arith.constant 504 : i32
    %add3A_77 = arith.addi %mul3A_2, %add3A_76 : i32
    %dma_wait3A_78 = arith.constant 0 : i32
    %dma_wait3A_79 = arith.constant 0 : i32
    %dma_wait3A_80 = arith.constant 0 : i32
    %dma_wait3A_81 = arith.constant 0 : i32
    %dma_wait3A_82 = tpu.memref_slice %arg6[%dma_wait3A_78, %dma_wait3A_80, %dma_wait3A_81] : memref<3x8x4096xf32, #tpu.memory_space<vmem>> -> memref<1x8x4096xf32, #tpu.memory_space<vmem>>
    %dma_wait3A_83 = tpu.memref_squeeze %dma_wait3A_82 : memref<1x8x4096xf32, #tpu.memory_space<vmem>> -> memref<8x4096xf32, #tpu.memory_space<vmem>>
    %dma_wait3A_84 = arith.constant 0 : i32
    %dma_wait3A_85 = tpu.memref_slice %arg4[%add3A_77, %dma_wait3A_84] : memref<16384x4096xf32, #tpu.memory_space<hbm>> -> memref<8x4096xf32, #tpu.memory_space<hbm>>
    %dma_wait3A_86 = tpu.memref_slice %arg8[%dma_wait3A_79] : memref<3x!tpu.dma_semaphore, #tpu.memory_space<semaphore_mem>> -> memref<1x!tpu.dma_semaphore, #tpu.memory_space<semaphore_mem>>
    %dma_wait3A_87 = tpu.memref_squeeze %dma_wait3A_86 : memref<1x!tpu.dma_semaphore, #tpu.memory_space<semaphore_mem>> -> memref<!tpu.dma_semaphore, #tpu.memory_space<semaphore_mem>>
    %dma_wait3A_88 = arith.constant 0 : i32
    %dma_wait3A_89 = tpu.memref_slice %arg4[%add3A_77, %dma_wait3A_88] : memref<16384x4096xf32, #tpu.memory_space<hbm>> -> memref<8x4096xf32, #tpu.memory_space<hbm>>
    %dma_wait3A_90 = arith.constant 0 : i32
    %dma_wait3A_91 = arith.constant 0 : i32
    %dma_wait3A_92 = tpu.memref_slice %arg6[%dma_wait3A_78, %dma_wait3A_90, %dma_wait3A_91] : memref<3x8x4096xf32, #tpu.memory_space<vmem>> -> memref<1x8x4096xf32, #tpu.memory_space<vmem>>
    %dma_wait3A_93 = tpu.memref_squeeze %dma_wait3A_92 : memref<1x8x4096xf32, #tpu.memory_space<vmem>> -> memref<8x4096xf32, #tpu.memory_space<vmem>>
    tpu.wait_dma2 semaphore(%dma_wait3A_87 : memref<!tpu.dma_semaphore, #tpu.memory_space<semaphore_mem>>) src(%dma_wait3A_93 : memref<8x4096xf32, #tpu.memory_space<vmem>>) dst(%dma_wait3A_89 : memref<8x4096xf32, #tpu.memory_space<hbm>>)
    return
  }
}

</mosaic_0001>

<sc_bundles>
// kernel: kernel.3.cloned.1.call-start
scs
__scs_entry_jumppad:
0x0: {  	(pc) =	sbr.rel $0x88, $3  }
0x1: {  	(tag) =	ssettag $0x0;
	lr =	simm.s32 $0x1  }
0x2: {  	[smem:$0x3F9F] =	sst lr;
	_ =	strace $0xD0000000  }
0x3: {  	_ = 	snop  }
0x4: {  	_ = 	snop  }
0x5: {  	_ = 	snop  }
0x6: {  	_ = 	snop  }
0x7: {  	_ = 	snop  }
__scs_overlays_trampoline_lowered:
0x8: {  	[smem:$0x3FAE] =	sst s0  }
0x9: {  	[smem:$0x3FAF] =	sst s1  }
0xa: {  	[smem:$0x3FB0] =	sst s2  }
0xb: {  	[smem:$0x3FB1] =	sst s3  }
0xc: {  	[smem:$0x3FB2] =	sst s4  }
0xd: {  	[smem:$0x3FB3] =	sst s5  }
0xe: {  	[smem:$0x3FB4] =	sst s6  }
0xf: {  	[smem:$0x3FB5] =	sst s7  }
0x10: {  	[smem:$0x3FB6] =	sst s8  }
0x11: {  	[smem:$0x3FB7] =	sst s9;
	s0 =	simm.s32 @!p0 $0x0  }
0x12: {  	s1 =	sld [smem:$0x3F9D];
	s0 =	simm.s32 @p0 $0x1  }
0x13: {  	[smem:$0x3FB8] =	sst s0;
	s0 =	simm.s32 @!p1 $0x0  }
0x14: {  	s2 =	sld [smem:$0x3F9C];
	s0 =	simm.s32 @p1 $0x1  }
0x15: {  	[smem:$0x3FB9] =	sst s0;
	s0 =	simm.s32 @!p2 $0x0  }
0x16: {  	s3 =	sld [smem:$0x3FDB];
	s0 =	simm.s32 @p2 $0x1  }
0x17: {  	s4 =	simm.s32 $0x1BF5;
	[smem:$0x3FBB] =	sst s0  }
0x18: {  	s0 =	sld [smem:$0x3F9E];
	_ =	swait.ge [sflag:s4], $0x0  }
0x19: {  	s7 =	sld [smem:$0x3F9F]  }
0x1a: {  	s8 =	sadd.s32 $0xFFFFE003, lr  }
0x1b: {  	s9 =	sadd.s32 $0xFFFFFEF7, lr;
	s5 =	simm.s32 $0xFFFFFFFF;
	p2 =	slt.u32 s8, $0xFFFFF086  }
0x1c: {  	p1 =	slt.u32 s9, $0xF7A;
	s5 =	simm.s32 @!p2 $0x0  }
0x1d: {  	s5 =	simm.s32 @p1 $0x1;
	p0 =	seq.s32 s7, s2  }
0x1e: {  	s7 =	smul.u32 @!p0 $0xF7A, s2;
	p2 =	seq.s32 @!p0 s5, $0x0  }
0x1f: {  	s9 =	smul.u32 $0xF7A, s1;
	s8 =	simm.s32 @!p0 $0x1BF5;
	p2 =	por !p2, p0  }
0x20: {  	[sflag:s8] =	ssyncset.s32 @!p0 $0xFFFFF086;
	s6 =	sadd.s32 @!p0 s3, s7;
	s7 =	simm.s32 @!p0 $0x108  }
0x21: {  	s3 =	sadd.s32 s3, s9;
	s6 =	sadd.s32 @!p0 $0x88, s6;
	s7 =	simm.s32 @p2 $0x1082  }
0x22: {  	[simem:s7], [sflag:s8] =	dma.local @!p0 [hbm:s6], $0xF7A  }
0x23: {  	s9 =	sor.u32 $0xD0000000, s2;
	s6 =	simm.s32 $0x108;
	_ =	swait.ge @!p0 [sflag:s8], $0x0  }
0x24: {  	s3 =	sadd.s32 $0x88, s3;
	s6 =	simm.s32 @!p1 $0x1082;
	[sflag:s4] =	ssyncset.s32 $0xFFFFF086  }
0x25: {  	[simem:s6], [sflag:s4] =	dma.local [hbm:s3], $0xF7A  }
0x26: {  	[smem:$0x3F9F] =	sst s1;
	(tag) =	ssettag s2;
	_ =	strace s9  }
0x27: {  	s1 =	sld [smem:$0x3FAF]  }
0x28: {  	s2 =	sld [smem:$0x3FB0]  }
0x29: {  	s4 =	sld [smem:$0x3FB2]  }
0x2a: {  	p0 =	seq.s32 s5, $0x0;
	s5 =	sld [smem:$0x3FB3]  }
0x2b: {  	s6 =	sld [smem:$0x3FB4]  }
0x2c: {  	s7 =	sld [smem:$0x3FB5]  }
0x2d: {  	s3 =	simm.s32 $0x108;
	s8 =	sld [smem:$0x3FB6]  }
0x2e: {  	s3 =	simm.s32 @!p0 $0x1082;
	s9 =	sld [smem:$0x3FB7]  }
0x2f: {  	lr =	sadd.s32 s0, s3;
	s0 =	sld [smem:$0x3FAE]  }
0x30: {  	s3 =	sld [smem:$0x3FB1]  }
0x31: {  	[smem:$0x3FBA] =	sst s10  }
0x32: {  	s10 =	sld [smem:$0x3FB8];
	_ =	sdelay $0x3  }
0x33: {  	p0 =	seq.s32 s10, $0x1;
	s10 =	sld [smem:$0x3FBA];
	_ =	sdelay $0x3  }
0x34: {  	[smem:$0x3FBA] =	sst s10  }
0x35: {  	s10 =	sld [smem:$0x3FB9];
	_ =	sdelay $0x3  }
0x36: {  	p1 =	seq.s32 s10, $0x1;
	s10 =	sld [smem:$0x3FBA];
	_ =	sdelay $0x3  }
0x37: {  	[smem:$0x3FBA] =	sst s10  }
0x38: {  	s10 =	sld [smem:$0x3FBB]  }
0x39: {  	_ = 	snop;
	(pc) =	sbr.ind lr, $3  }
0x3a: {  	_ = 	snop  }
0x3b: {  	_ = 	snop  }
0x3c: {  	p2 =	seq.s32 s10, $0x1;
	s10 =	sld [smem:$0x3FBA]  }
0x3d: {  	_ =	shalt  }
0x3e: {  	_ =	shalt  }
0x3f: {  	_ =	shalt  }
0x40: {  	_ =	shalt  }
0x41: {  	_ =	shalt  }
0x42: {  	_ =	shalt  }
0x43: {  	_ =	shalt  }
0x44: {  	_ =	shalt  }
0x45: {  	_ =	shalt  }
0x46: {  	_ =	shalt  }
0x47: {  	_ =	shalt  }
0x48: {  	_ =	shalt  }
0x49: {  	_ =	shalt  }
0x4a: {  	_ =	shalt  }
0x4b: {  	_ =	shalt  }
0x4c: {  	_ =	shalt  }
0x4d: {  	_ =	shalt  }
0x4e: {  	_ =	shalt  }
0x4f: {  	_ =	shalt  }
0x50: {  	_ =	shalt  }
0x51: {  	_ =	shalt  }
0x52: {  	_ =	shalt  }
0x53: {  	_ =	shalt  }
0x54: {  	_ =	shalt  }
0x55: {  	_ =	shalt  }
0x56: {  	_ =	shalt  }
0x57: {  	_ =	shalt  }
0x58: {  	_ =	shalt  }
0x59: {  	_ =	shalt  }
0x5a: {  	_ =	shalt  }
0x5b: {  	_ =	shalt  }
0x5c: {  	_ =	shalt  }
0x5d: {  	_ =	shalt  }
0x5e: {  	_ =	shalt  }
0x5f: {  	_ =	shalt  }
0x60: {  	_ =	shalt  }
0x61: {  	_ =	shalt  }
0x62: {  	_ =	shalt  }
0x63: {  	_ =	shalt  }
0x64: {  	_ =	shalt  }
0x65: {  	_ =	shalt  }
0x66: {  	_ =	shalt  }
0x67: {  	_ =	shalt  }
0x68: {  	_ =	shalt  }
0x69: {  	_ =	shalt  }
0x6a: {  	_ =	shalt  }
0x6b: {  	_ =	shalt  }
0x6c: {  	_ =	shalt  }
0x6d: {  	_ =	shalt  }
0x6e: {  	_ =	shalt  }
0x6f: {  	_ =	shalt  }
0x70: {  	_ =	shalt  }
0x71: {  	_ =	shalt  }
0x72: {  	_ =	shalt  }
0x73: {  	_ =	shalt  }
0x74: {  	_ =	shalt  }
0x75: {  	_ =	shalt  }
0x76: {  	_ =	shalt  }
0x77: {  	_ =	shalt  }
0x78: {  	_ =	shalt  }
0x79: {  	_ =	shalt  }
0x7a: {  	_ =	shalt  }
0x7b: {  	_ =	shalt  }
0x7c: {  	_ =	shalt  }
0x7d: {  	_ =	shalt  }
0x7e: {  	_ =	shalt  }
0x7f: {  	_ =	shalt  }
0x80: {  	_ =	shalt  }
0x81: {  	_ =	shalt  }
0x82: {  	_ =	shalt  }
0x83: {  	_ =	shalt  }
0x84: {  	_ =	shalt  }
0x85: {  	_ =	shalt  }
0x86: {  	_ =	shalt  }
0x87: {  	_ =	shalt  }
.Lfunc_end0:
.L_simem_size_0:
called_computation_lowered:
.L_overlay_start_0:
0x88: {  	s2 =	sld [smem:$0x3FD9]  }
0x89: {  	s3 =	sld [smem:$0x3FFE];
	_ =	sdelay $0x1  }
0x8a: {  	s1 =	srdreg.scid  }
0x8b: {  	s0 =	sand.u32 $0x1, s1  }
0x8c: {  	s18 =	sshll.u32 s0, $0xA;
	s2 =	sadd.s32 s3, s2  }
0x8d: {  	s2 =	sadd.s32 s2, s18  }
0x8e: {  	[smem:$0x3FC6] =	sst s2  }
0x8f: {  	_ = 	snop  }
0x90: {  	s2 =	sld [smem:$0x3FC9]  }
0x91: {  	s19 =	sld [smem:$0x3FC8]  }
0x92: {  	s4 =	sld [smem:$0x3FD0];
	(tm) =	ssettm $0x1  }
0x93: {  	s5 =	sld [smem:$0x3FFB];
	_ =	sdelay $0x3  }
0x94: {  	_ =	strace s5  }
0x95: {  	s5 =	sld [smem:$0x3FFC];
	_ =	sdelay $0x3  }
0x96: {  	_ =	strace s5  }
0x97: {  	s5 =	sld [smem:$0x3FFD];
	_ =	sdelay $0x3  }
0x98: {  	_ =	strace s5  }
0x99: {  	_ =	strace $0x8FFFFFFF  }
0x9a: {  	s20 =	sld [smem:$0x3FDB];
	_ =	sdelay $0x1  }
0x9b: {  	s6 =	simm.s32 $_scs_section_size  }
0x9c: {  	s7 =	simm.s32 $_size__tile_overlayer_lowered;
	s8 =	simm.s32 $_tile_overlayer_lowered  }
0x9d: {  	s23 =	simm.s32 $0x1BFF;
	s22 =	sshll.u32 s8, $0x1;
	s5 =	sadd.s32 s6, s20  }
0x9e: {  	s9 =	simm.s32 $0x0;
	s21 =	sshll.u32 s7, $0x1;
	s7 =	sadd.s32 s22, s5  }
0x9f: {  	[timem:s9], [sflag:s23] =	dma.local [hbm:s7], s21  }
0xa0: {  	_ =	swait.ge [sflag:s23], s21  }
0xa1: {  	s6 =	ssub.s32 $0x0, s21;
	[sflag:s23] =	ssyncset.done $0x0  }
0xa2: {  	[sflag:s23] =	ssyncadd.s32 s6;
	_ =	sdelay $0x1  }
0xa3: {  	s24 =	simm.s32 $0x1B8B  }
0xa4: {  	_ =	swait.ge [sflag:s24], $0x1  }
0xa5: {  	[sflag:s24] =	ssyncset.done $0x0  }
0xa6: {  	s25 =	simm.s32 $0x1B8E;
	[sflag:s24] =	ssyncadd.s32 $0xFFFFFFFF  }
0xa7: {  	s26 =	simm.s32 $execute0_lowered;
	[smem:$0x3FD2] =	sst s25  }
0xa8: {  	s6 =	sshll.u32 s26, $0x1;
	_ =	strace $0x80000046;
	[dreg:$0x1] =	wrdreg $0xFFFFFFFF  }
0xa9: {  	s28 =	simm.s32 $_size_execute0_lowered;
	s5 =	sadd.s32 s5, s6;
	[dreg:$0x0] =	wrdreg $0x0  }
0xaa: {  	s6 =	sshll.u32 s28, $0x1;
	[dreg:$0x2] =	wrdreg s5  }
0xab: {  	[dreg:$0x3] =	wrdreg s6  }
0xac: {  	[dreg:$0x4] =	wrdreg $0xC0  }
0xad: {  	_ =	task [dreg:s9], $0x5FFFF  }
0xae: {  	[dreg:$0x1] =	wrdreg $0xFFFFFFFF  }
0xaf: {  	[dreg:$0x0] =	wrdreg $0x60  }
0xb0: {  	[dreg:$0x2] =	wrdreg s2  }
0xb1: {  	[dreg:$0x3] =	wrdreg s19  }
0xb2: {  	[dreg:$0x4] =	wrdreg s4  }
0xb3: {  	[dreg:$0x5] =	wrdreg $0x9  }
0xb4: {  	_ =	task.clear_ibuf [dreg:s9], $0x6FFFF;
	_ =	strace $0x90000046  }
0xb5: {  	s29 =	simm.s32 $0x9;
	_ =	strace $0x80000048  }
0xb6: {  	_ =	swait.ge [sflag:s29], $0x1  }
0xb7: {  	[sflag:s29] =	ssyncadd.s32 $0xFFFFFFFF  }
0xb8: {  	_ =	strace $0x90000048  }
0xb9: {  	_ =	sfence  }
0xba: {  	s30 =	sld [smem:$0x0];
	_ =	sdelay $0x2  }
0xbb: {  	s31 =	sshll.u32 s1, $0xD;
	s1 =	sshrl.u32 s1, $0x2  }
0xbc: {  	s3 =	sand.u32 $0x4000, s31;
	s1 =	sadd.s32 s1, s30  }
0xbd: {  	s0 =	sor.u32 s3, s0;
	s1 =	sshll.u32 s1, $0x11  }
0xbe: {  	s0 =	sor.u32 s1, s0  }
0xbf: {  	s0 =	sadd.s32 $0x8F2B, s0  }
0xc0: {  	[sflag:s0] =	ssyncadd.remote.s32 $0x1  }
0xc1: {  	_ =	sfence.sel $0xFFFF  }
0xc2: {  	[dreg:$0x0] =	wrdreg $0xFFFFFFFF;
	(pc) =	sbr.abs _section_cstart, $3  }
0xc3: {  	[dreg:$0x1] =	wrdreg $0xFFFFFFFF  }
0xc4: {  	_ =	task.clear_ibuf [dreg:s9], $0x2FFFF;
	_ =	strace $0x9FFFFFFF  }
0xc5: {  	(tm) =	ssettm $0x7FFFFFFF  }
tec
execute0_lowered:
.L_overlay_start_1:
0x0: {  	(tag) =	ssettag $0x1  }
0x1: {  	s0 =	rddreg [dreg:$0x0]  }
0x2: {  	s1 =	rddreg [dreg:$0x1]  }
0x3: {  	s2 =	rddreg [dreg:$0x2];
	s4 =	srdreg.scid;
	s3 =	simm.s32 $0x0  }
0x4: {  	s22 =	stileid.u32;
	s24 =	simm.s32 $0x200;
	s29 =	simm.s32 $0x10200  }
0x5: {  	s23 =	simm.s32 $0x6;
	s4 =	sand.u32 $0x1, s4;
	s6 =	sshll.u32 s22, $0xA  }
0x6: {  	[smem:$0x7FF] =	sst s3;
	s9 =	sadd.s32 $0x500, s1;
	s10 =	sadd.s32 $0x600, s1  }
0x7: {  	s11 =	sadd.s32 $0x700, s1;
	s12 =	sadd.s32 $0x800, s1;
	s13 =	sadd.s32 $0x900, s1  }
0x8: {  	s14 =	sadd.s32 $0xA00, s1;
	s15 =	sadd.s32 $0xB00, s1;
	s16 =	sadd.s32 $0xC00, s1  }
0x9: {  	s17 =	sadd.s32 $0xD00, s1;
	s18 =	sadd.s32 $0xE00, s1;
	s19 =	sadd.s32 $0xF00, s1  }
0xa: {  	s28 =	sshll.u32 s22, $0x13;
	s22 =	simm.s32 $0x3;
	s5 =	ssub.s32 $0x2, s4  }
0xb: {  	s7 =	sshll.u32 s4, $0x9;
	_ =	strace $0x80000047;
	s4 =	sshll.u32 s4, $0x12  }
0xc: {  	s8 =	sshrl.u32 s5, $0x1;
	s20 =	sor.u32 s7, s6;
	s6 =	sadd.s32 $0x200, s1  }
0xd: {  	s7 =	sadd.s32 $0x300, s1;
	s21 =	ssub.s32 s5, s8;
	s25 =	sshrl.u32 s20, $0x3  }
0xe: {  	s5 =	sadd.s32 $0x100, s1;
	s8 =	sadd.s32 $0x400, s1;
	s26 =	sshll.u32 s20, $0x9  }
0xf: {  	s20 =	simm.s32 $0x2;
	s0 =	sadd.s32 s0, s25;
	s30 =	smax.u32 s21, $0x1  }
.Ltmp0:
0x10: {  	s21 =	simm.s32 $0x5;
	[dreg:$0x4] =	wrdreg s0;
	(pc) =	sbr.rel .LBB2_1-.Ltmp0, $4  }
0x11: {  	s0 =	sadd.s32 s26, s2;
	s2 =	sadd.s32 s28, s2;
	[dreg:$0x6] =	wrdreg s30  }
0x12: {  	v0 =	vlaneseq.u32;
	s26 =	simm.s32 $0x0;
	s0 =	sadd.s32 $0x3F000, s0;
	s31 =	sadd.s32 s4, s2  }
0x13: {  	v1 =	vshrl.u32 v0, $0x3;
	s2 =	simm.s32 $0x1;
	[dreg:$0x5] =	wrdreg s0;
	s0 =	sadd.s32 $0x2000, s31  }
0x14: {  	vm0 =	vmmov $0xffff;
	v0 =	vand.u32 $0x7, v0;
	v1 =	vmul.u32 $0x8, v1;
	s4 =	simm.s32 $0x4;
	[dreg:$0x7] =	wrdreg s0;
	s0 =	simm.s32 $0x17A00  }
.LBB2_4:
0x15: {  	_ =	swait.ge [sflag:s2], $0x8000  }
0x16: {  	[sflag:s2] =	ssyncset.done $0x0  }
0x17: {  	s25 =	rddreg [dreg:$0x5];
	[sflag:s2] =	ssyncadd.s32 $0xFFFF8000  }
0x18: {  	[hbm4b:s25+s3] =	stream.linear.scatter [tilespmem:s24], [sflag:$0x4], $0x8000, $0x38;
	[tilespmem:$0x18200] =	vst v63  }
0x19: {  	_ =	swait.ge [sflag:s4], $0x8000  }
0x1a: {  	s26 =	rddreg [dreg:$0x8]  }
0x1b: {  	s31 =	rddreg [dreg:$0x6];
	s26 =	sadd.s32 $0x1, s26  }
0x1c: {  	p0 =	sne.s32 s26, s31  }
.Ltmp1:
0x1d: {  	_ = 	snop;
	(pc) =	sbr.rel @!p0 .LBB2_5-.Ltmp1, $3  }
0x1e: {  	_ =	sdelay $0x1  }
0x1f: {  	[sflag:s4] =	ssyncset.done $0x0  }
0x20: {  	[sflag:s4] =	ssyncadd.s32 $0xFFFF8000  }
.LBB2_1:
0x21: {  	[dreg:$0x8] =	wrdreg s26  }
0x22: {  	s25 =	rddreg [dreg:$0x4];
	s30 =	simm.s32 $0x7  }
0x23: {  	[tilespmem:s3], [sflag:$0x7] =	stream.linear.gather [hbm4b:s25+s3], $0x200, $0x38;
	[tilespmem:$0x18200] =	vst v63  }
0x24: {  	_ =	swait.ge [sflag:s30], $0x200  }
0x25: {  	[sflag:s30] =	ssyncset.done $0x0  }
0x26: {  	[sflag:s30] =	ssyncadd.s32 $0xFFFFFE00  }
0x27: {  	v2 =	vld.msk [tilespmem:$0x0], $0xff;
	_ =	sdelay $0x4  }
0x28: {  	v3 =	vshll.u32 v2, $0x5  }
0x29: {  	v2 =	vand.u32 $0x7, v2;
	v3 =	vand.u32 $0xFFFFFF00, v3  }
0x2a: {  	v2 =	vor.u32 v2, v3  }
0x2b: {  	v2 =	vperm.xlane v2, v0;
	_ =	sdelay $0x1  }
0x2c: {  	v2 =	vadd.s32 v1, v2;
	_ =	sdelay $0x4  }
0x2d: {  	[tilespmem:s24], [sflag:$0x1] =	stream.indirect_vreg.gather [hbm4b:s1+s3], $0x80, v2, vm0, $0xb8;
	[tilespmem:$0x18200] =	vst v63  }
0x2e: {  	s31 =	simm.s32 $0xA00  }
0x2f: {  	[tilespmem:s31], [sflag:$0x1] =	stream.indirect_vreg.gather [hbm4b:s5+s3], $0x80, v2, vm0, $0xb8;
	[tilespmem:$0x18200] =	vst v63  }
0x30: {  	s26 =	simm.s32 $0x1200  }
0x31: {  	[tilespmem:s26], [sflag:$0x1] =	stream.indirect_vreg.gather [hbm4b:s6+s3], $0x80, v2, vm0, $0xb8;
	[tilespmem:$0x18200] =	vst v63  }
0x32: {  	s28 =	simm.s32 $0x1A00  }
0x33: {  	[tilespmem:s28], [sflag:$0x1] =	stream.indirect_vreg.gather [hbm4b:s7+s3], $0x80, v2, vm0, $0xb8;
	[tilespmem:$0x18200] =	vst v63  }
0x34: {  	s30 =	simm.s32 $0x2200  }
0x35: {  	[tilespmem:s30], [sflag:$0x1] =	stream.indirect_vreg.gather [hbm4b:s8+s3], $0x80, v2, vm0, $0xb8;
	[tilespmem:$0x18200] =	vst v63  }
0x36: {  	s31 =	simm.s32 $0x2A00  }
0x37: {  	[tilespmem:s31], [sflag:$0x1] =	stream.indirect_vreg.gather [hbm4b:s9+s3], $0x80, v2, vm0, $0xb8;
	[tilespmem:$0x18200] =	vst v63  }
0x38: {  	s26 =	simm.s32 $0x3200  }
0x39: {  	[tilespmem:s26], [sflag:$0x1] =	stream.indirect_vreg.gather [hbm4b:s10+s3], $0x80, v2, vm0, $0xb8;
	[tilespmem:$0x18200] =	vst v63  }
0x3a: {  	s28 =	simm.s32 $0x3A00  }
0x3b: {  	[tilespmem:s28], [sflag:$0x1] =	stream.indirect_vreg.gather [hbm4b:s11+s3], $0x80, v2, vm0, $0xb8;
	[tilespmem:$0x18200] =	vst v63  }
0x3c: {  	s30 =	simm.s32 $0x4200  }
0x3d: {  	[tilespmem:s30], [sflag:$0x1] =	stream.indirect_vreg.gather [hbm4b:s12+s3], $0x80, v2, vm0, $0xb8;
	[tilespmem:$0x18200] =	vst v63  }
0x3e: {  	s31 =	simm.s32 $0x4A00  }
0x3f: {  	[tilespmem:s31], [sflag:$0x1] =	stream.indirect_vreg.gather [hbm4b:s13+s3], $0x80, v2, vm0, $0xb8;
	[tilespmem:$0x18200] =	vst v63  }
0x40: {  	s26 =	simm.s32 $0x5200  }
0x41: {  	[tilespmem:s26], [sflag:$0x1] =	stream.indirect_vreg.gather [hbm4b:s14+s3], $0x80, v2, vm0, $0xb8;
	[tilespmem:$0x18200] =	vst v63  }
0x42: {  	s28 =	simm.s32 $0x5A00  }
0x43: {  	[tilespmem:s28], [sflag:$0x1] =	stream.indirect_vreg.gather [hbm4b:s15+s3], $0x80, v2, vm0, $0xb8;
	[tilespmem:$0x18200] =	vst v63  }
0x44: {  	s30 =	simm.s32 $0x6200  }
0x45: {  	[tilespmem:s30], [sflag:$0x1] =	stream.indirect_vreg.gather [hbm4b:s16+s3], $0x80, v2, vm0, $0xb8;
	[tilespmem:$0x18200] =	vst v63  }
0x46: {  	s31 =	simm.s32 $0x6A00  }
0x47: {  	[tilespmem:s31], [sflag:$0x1] =	stream.indirect_vreg.gather [hbm4b:s17+s3], $0x80, v2, vm0, $0xb8;
	[tilespmem:$0x18200] =	vst v63  }
0x48: {  	s26 =	simm.s32 $0x7200  }
0x49: {  	[tilespmem:s26], [sflag:$0x1] =	stream.indirect_vreg.gather [hbm4b:s18+s3], $0x80, v2, vm0, $0xb8;
	[tilespmem:$0x18200] =	vst v63  }
0x4a: {  	s28 =	simm.s32 $0x7A00  }
0x4b: {  	[tilespmem:s28], [sflag:$0x1] =	stream.indirect_vreg.gather [hbm4b:s19+s3], $0x80, v2, vm0, $0xb8;
	[tilespmem:$0x18200] =	vst v63  }
0x4c: {  	v2 =	vld.msk [tilespmem:$0x8], $0xff;
	_ =	sdelay $0x4  }
0x4d: {  	v3 =	vshll.u32 v2, $0x5  }
0x4e: {  	v2 =	vand.u32 $0x7, v2;
	v3 =	vand.u32 $0xFFFFFF00, v3  }
0x4f: {  	v2 =	vor.u32 v2, v3  }
0x50: {  	v2 =	vperm.xlane v2, v0;
	_ =	sdelay $0x1  }
0x51: {  	v2 =	vadd.s32 v1, v2;
	_ =	sdelay $0x3  }
0x52: {  	s30 =	simm.s32 $0x8200  }
0x53: {  	[tilespmem:s30], [sflag:$0x2] =	stream.indirect_vreg.gather [hbm4b:s1+s3], $0x80, v2, vm0, $0xb8;
	[tilespmem:$0x18200] =	vst v63  }
0x54: {  	s31 =	simm.s32 $0x8A00  }
0x55: {  	[tilespmem:s31], [sflag:$0x2] =	stream.indirect_vreg.gather [hbm4b:s5+s3], $0x80, v2, vm0, $0xb8;
	[tilespmem:$0x18200] =	vst v63  }
0x56: {  	s26 =	simm.s32 $0x9200  }
0x57: {  	[tilespmem:s26], [sflag:$0x2] =	stream.indirect_vreg.gather [hbm4b:s6+s3], $0x80, v2, vm0, $0xb8;
	[tilespmem:$0x18200] =	vst v63  }
0x58: {  	s28 =	simm.s32 $0x9A00  }
0x59: {  	[tilespmem:s28], [sflag:$0x2] =	stream.indirect_vreg.gather [hbm4b:s7+s3], $0x80, v2, vm0, $0xb8;
	[tilespmem:$0x18200] =	vst v63  }
0x5a: {  	s30 =	simm.s32 $0xA200  }
0x5b: {  	[tilespmem:s30], [sflag:$0x2] =	stream.indirect_vreg.gather [hbm4b:s8+s3], $0x80, v2, vm0, $0xb8;
	[tilespmem:$0x18200] =	vst v63  }
0x5c: {  	s31 =	simm.s32 $0xAA00  }
0x5d: {  	[tilespmem:s31], [sflag:$0x2] =	stream.indirect_vreg.gather [hbm4b:s9+s3], $0x80, v2, vm0, $0xb8;
	[tilespmem:$0x18200] =	vst v63  }
0x5e: {  	s26 =	simm.s32 $0xB200  }
0x5f: {  	[tilespmem:s26], [sflag:$0x2] =	stream.indirect_vreg.gather [hbm4b:s10+s3], $0x80, v2, vm0, $0xb8;
	[tilespmem:$0x18200] =	vst v63  }
0x60: {  	s28 =	simm.s32 $0xBA00  }
0x61: {  	[tilespmem:s28], [sflag:$0x2] =	stream.indirect_vreg.gather [hbm4b:s11+s3], $0x80, v2, vm0, $0xb8;
	[tilespmem:$0x18200] =	vst v63  }
0x62: {  	s30 =	simm.s32 $0xC200  }
0x63: {  	[tilespmem:s30], [sflag:$0x2] =	stream.indirect_vreg.gather [hbm4b:s12+s3], $0x80, v2, vm0, $0xb8;
	[tilespmem:$0x18200] =	vst v63  }
0x64: {  	s31 =	simm.s32 $0xCA00  }
0x65: {  	[tilespmem:s31], [sflag:$0x2] =	stream.indirect_vreg.gather [hbm4b:s13+s3], $0x80, v2, vm0, $0xb8;
	[tilespmem:$0x18200] =	vst v63  }
0x66: {  	s26 =	simm.s32 $0xD200  }
0x67: {  	[tilespmem:s26], [sflag:$0x2] =	stream.indirect_vreg.gather [hbm4b:s14+s3], $0x80, v2, vm0, $0xb8;
	[tilespmem:$0x18200] =	vst v63  }
0x68: {  	s28 =	simm.s32 $0xDA00  }
0x69: {  	[tilespmem:s28], [sflag:$0x2] =	stream.indirect_vreg.gather [hbm4b:s15+s3], $0x80, v2, vm0, $0xb8;
	[tilespmem:$0x18200] =	vst v63  }
0x6a: {  	s30 =	simm.s32 $0xE200  }
0x6b: {  	[tilespmem:s30], [sflag:$0x2] =	stream.indirect_vreg.gather [hbm4b:s16+s3], $0x80, v2, vm0, $0xb8;
	[tilespmem:$0x18200] =	vst v63  }
0x6c: {  	s31 =	simm.s32 $0xEA00  }
0x6d: {  	[tilespmem:s31], [sflag:$0x2] =	stream.indirect_vreg.gather [hbm4b:s17+s3], $0x80, v2, vm0, $0xb8;
	[tilespmem:$0x18200] =	vst v63  }
0x6e: {  	s26 =	simm.s32 $0xF200  }
0x6f: {  	[tilespmem:s26], [sflag:$0x2] =	stream.indirect_vreg.gather [hbm4b:s18+s3], $0x80, v2, vm0, $0xb8;
	[tilespmem:$0x18200] =	vst v63  }
0x70: {  	s28 =	simm.s32 $0xFA00  }
0x71: {  	[tilespmem:s28], [sflag:$0x2] =	stream.indirect_vreg.gather [hbm4b:s19+s3], $0x80, v2, vm0, $0xb8;
	[tilespmem:$0x18200] =	vst v63  }
0x72: {  	v2 =	vld.msk [tilespmem:$0x10], $0xff;
	_ =	sdelay $0x4  }
0x73: {  	v3 =	vshll.u32 v2, $0x5  }
0x74: {  	v2 =	vand.u32 $0x7, v2;
	v3 =	vand.u32 $0xFFFFFF00, v3  }
0x75: {  	v2 =	vor.u32 v2, v3  }
0x76: {  	v2 =	vperm.xlane v2, v0;
	_ =	sdelay $0x1  }
0x77: {  	v2 =	vadd.s32 v1, v2;
	_ =	sdelay $0x4  }
0x78: {  	[tilespmem:s29], [sflag:$0x3] =	stream.indirect_vreg.gather [hbm4b:s1+s3], $0x80, v2, vm0, $0xb8;
	[tilespmem:$0x18200] =	vst v63  }
0x79: {  	s30 =	simm.s32 $0x10A00  }
0x7a: {  	[tilespmem:s30], [sflag:$0x3] =	stream.indirect_vreg.gather [hbm4b:s5+s3], $0x80, v2, vm0, $0xb8;
	[tilespmem:$0x18200] =	vst v63  }
0x7b: {  	s31 =	simm.s32 $0x11200  }
0x7c: {  	[tilespmem:s31], [sflag:$0x3] =	stream.indirect_vreg.gather [hbm4b:s6+s3], $0x80, v2, vm0, $0xb8;
	[tilespmem:$0x18200] =	vst v63  }
0x7d: {  	s26 =	simm.s32 $0x11A00  }
0x7e: {  	[tilespmem:s26], [sflag:$0x3] =	stream.indirect_vreg.gather [hbm4b:s7+s3], $0x80, v2, vm0, $0xb8;
	[tilespmem:$0x18200] =	vst v63  }
0x7f: {  	s28 =	simm.s32 $0x12200  }
0x80: {  	[tilespmem:s28], [sflag:$0x3] =	stream.indirect_vreg.gather [hbm4b:s8+s3], $0x80, v2, vm0, $0xb8;
	[tilespmem:$0x18200] =	vst v63  }
0x81: {  	s30 =	simm.s32 $0x12A00  }
0x82: {  	[tilespmem:s30], [sflag:$0x3] =	stream.indirect_vreg.gather [hbm4b:s9+s3], $0x80, v2, vm0, $0xb8;
	[tilespmem:$0x18200] =	vst v63  }
0x83: {  	s31 =	simm.s32 $0x13200  }
0x84: {  	[tilespmem:s31], [sflag:$0x3] =	stream.indirect_vreg.gather [hbm4b:s10+s3], $0x80, v2, vm0, $0xb8;
	[tilespmem:$0x18200] =	vst v63  }
0x85: {  	s26 =	simm.s32 $0x13A00  }
0x86: {  	[tilespmem:s26], [sflag:$0x3] =	stream.indirect_vreg.gather [hbm4b:s11+s3], $0x80, v2, vm0, $0xb8;
	[tilespmem:$0x18200] =	vst v63  }
0x87: {  	s28 =	simm.s32 $0x14200  }
0x88: {  	[tilespmem:s28], [sflag:$0x3] =	stream.indirect_vreg.gather [hbm4b:s12+s3], $0x80, v2, vm0, $0xb8;
	[tilespmem:$0x18200] =	vst v63  }
0x89: {  	s30 =	simm.s32 $0x14A00  }
0x8a: {  	[tilespmem:s30], [sflag:$0x3] =	stream.indirect_vreg.gather [hbm4b:s13+s3], $0x80, v2, vm0, $0xb8;
	[tilespmem:$0x18200] =	vst v63  }
0x8b: {  	s31 =	simm.s32 $0x15200  }
0x8c: {  	[tilespmem:s31], [sflag:$0x3] =	stream.indirect_vreg.gather [hbm4b:s14+s3], $0x80, v2, vm0, $0xb8;
	[tilespmem:$0x18200] =	vst v63  }
0x8d: {  	s26 =	simm.s32 $0x15A00  }
0x8e: {  	[tilespmem:s26], [sflag:$0x3] =	stream.indirect_vreg.gather [hbm4b:s15+s3], $0x80, v2, vm0, $0xb8;
	[tilespmem:$0x18200] =	vst v63  }
0x8f: {  	s28 =	simm.s32 $0x16200  }
0x90: {  	[tilespmem:s28], [sflag:$0x3] =	stream.indirect_vreg.gather [hbm4b:s16+s3], $0x80, v2, vm0, $0xb8;
	[tilespmem:$0x18200] =	vst v63  }
0x91: {  	s30 =	simm.s32 $0x16A00  }
0x92: {  	[tilespmem:s30], [sflag:$0x3] =	stream.indirect_vreg.gather [hbm4b:s17+s3], $0x80, v2, vm0, $0xb8;
	[tilespmem:$0x18200] =	vst v63  }
0x93: {  	s31 =	simm.s32 $0x17200  }
0x94: {  	[tilespmem:s31], [sflag:$0x3] =	stream.indirect_vreg.gather [hbm4b:s18+s3], $0x80, v2, vm0, $0xb8;
	[tilespmem:$0x18200] =	vst v63  }
0x95: {  	s25 =	simm.s32 $0x0;
	s26 =	rddreg [dreg:$0x7]  }
0x96: {  	[tilespmem:s0], [sflag:$0x3] =	stream.indirect_vreg.gather [hbm4b:s19+s3], $0x80, v2, vm0, $0xb8;
	[tilespmem:$0x18200] =	vst v63  }
.LBB2_2:
0x97: {  	_ =	swait.ge [sflag:s2], $0x8000  }
0x98: {  	[sflag:s2] =	ssyncset.done $0x0  }
0x99: {  	s28 =	sadd.s32 $0xFFFFE000, s26;
	[sflag:s2] =	ssyncadd.s32 $0xFFFF8000  }
0x9a: {  	[hbm4b:s28+s3] =	stream.linear.scatter [tilespmem:s24], [sflag:$0x4], $0x8000, $0x38;
	[tilespmem:$0x18200] =	vst v63  }
0x9b: {  	_ =	swait.ge [sflag:s4], $0x8000  }
0x9c: {  	[sflag:s4] =	ssyncset.done $0x0  }
0x9d: {  	s28 =	sshra.s32 s25, $0x2;
	[sflag:s4] =	ssyncadd.s32 $0xFFFF8000  }
0x9e: {  	v2 =	vld.msk [tilespmem:s28+$0x18], $0xff;
	_ =	sdelay $0x4  }
0x9f: {  	v3 =	vshll.u32 v2, $0x5  }
0xa0: {  	v2 =	vand.u32 $0x7, v2;
	v3 =	vand.u32 $0xFFFFFF00, v3  }
0xa1: {  	v2 =	vor.u32 v2, v3  }
0xa2: {  	v2 =	vperm.xlane v2, v0;
	_ =	sdelay $0x1  }
0xa3: {  	v2 =	vadd.s32 v1, v2;
	_ =	sdelay $0x4  }
0xa4: {  	[tilespmem:s24], [sflag:$0x1] =	stream.indirect_vreg.gather [hbm4b:s1+s3], $0x80, v2, vm0, $0xb8;
	[tilespmem:$0x18200] =	vst v63  }
0xa5: {  	s30 =	simm.s32 $0xA00  }
0xa6: {  	[tilespmem:s30], [sflag:$0x1] =	stream.indirect_vreg.gather [hbm4b:s5+s3], $0x80, v2, vm0, $0xb8;
	[tilespmem:$0x18200] =	vst v63  }
0xa7: {  	s31 =	simm.s32 $0x1200  }
0xa8: {  	[tilespmem:s31], [sflag:$0x1] =	stream.indirect_vreg.gather [hbm4b:s6+s3], $0x80, v2, vm0, $0xb8;
	[tilespmem:$0x18200] =	vst v63  }
0xa9: {  	s31 =	simm.s32 $0x1A00  }
0xaa: {  	[tilespmem:s31], [sflag:$0x1] =	stream.indirect_vreg.gather [hbm4b:s7+s3], $0x80, v2, vm0, $0xb8;
	[tilespmem:$0x18200] =	vst v63  }
0xab: {  	s31 =	simm.s32 $0x2200  }
0xac: {  	[tilespmem:s31], [sflag:$0x1] =	stream.indirect_vreg.gather [hbm4b:s8+s3], $0x80, v2, vm0, $0xb8;
	[tilespmem:$0x18200] =	vst v63  }
0xad: {  	s31 =	simm.s32 $0x2A00  }
0xae: {  	[tilespmem:s31], [sflag:$0x1] =	stream.indirect_vreg.gather [hbm4b:s9+s3], $0x80, v2, vm0, $0xb8;
	[tilespmem:$0x18200] =	vst v63  }
0xaf: {  	s31 =	simm.s32 $0x3200  }
0xb0: {  	[tilespmem:s31], [sflag:$0x1] =	stream.indirect_vreg.gather [hbm4b:s10+s3], $0x80, v2, vm0, $0xb8;
	[tilespmem:$0x18200] =	vst v63  }
0xb1: {  	s31 =	simm.s32 $0x3A00  }
0xb2: {  	[tilespmem:s31], [sflag:$0x1] =	stream.indirect_vreg.gather [hbm4b:s11+s3], $0x80, v2, vm0, $0xb8;
	[tilespmem:$0x18200] =	vst v63  }
0xb3: {  	s31 =	simm.s32 $0x4200  }
0xb4: {  	[tilespmem:s31], [sflag:$0x1] =	stream.indirect_vreg.gather [hbm4b:s12+s3], $0x80, v2, vm0, $0xb8;
	[tilespmem:$0x18200] =	vst v63  }
0xb5: {  	s31 =	simm.s32 $0x4A00  }
0xb6: {  	[tilespmem:s31], [sflag:$0x1] =	stream.indirect_vreg.gather [hbm4b:s13+s3], $0x80, v2, vm0, $0xb8;
	[tilespmem:$0x18200] =	vst v63  }
0xb7: {  	s31 =	simm.s32 $0x5200  }
0xb8: {  	[tilespmem:s31], [sflag:$0x1] =	stream.indirect_vreg.gather [hbm4b:s14+s3], $0x80, v2, vm0, $0xb8;
	[tilespmem:$0x18200] =	vst v63  }
0xb9: {  	s31 =	simm.s32 $0x5A00  }
0xba: {  	[tilespmem:s31], [sflag:$0x1] =	stream.indirect_vreg.gather [hbm4b:s15+s3], $0x80, v2, vm0, $0xb8;
	[tilespmem:$0x18200] =	vst v63  }
0xbb: {  	s31 =	simm.s32 $0x6200  }
0xbc: {  	[tilespmem:s31], [sflag:$0x1] =	stream.indirect_vreg.gather [hbm4b:s16+s3], $0x80, v2, vm0, $0xb8;
	[tilespmem:$0x18200] =	vst v63  }
0xbd: {  	s31 =	simm.s32 $0x6A00  }
0xbe: {  	[tilespmem:s31], [sflag:$0x1] =	stream.indirect_vreg.gather [hbm4b:s17+s3], $0x80, v2, vm0, $0xb8;
	[tilespmem:$0x18200] =	vst v63  }
0xbf: {  	s31 =	simm.s32 $0x7200  }
0xc0: {  	[tilespmem:s31], [sflag:$0x1] =	stream.indirect_vreg.gather [hbm4b:s18+s3], $0x80, v2, vm0, $0xb8;
	[tilespmem:$0x18200] =	vst v63  }
0xc1: {  	s31 =	simm.s32 $0x7A00  }
0xc2: {  	[tilespmem:s31], [sflag:$0x1] =	stream.indirect_vreg.gather [hbm4b:s19+s3], $0x80, v2, vm0, $0xb8;
	[tilespmem:$0x18200] =	vst v63  }
0xc3: {  	_ =	swait.ge [sflag:s20], $0x8000  }
0xc4: {  	[sflag:s20] =	ssyncset.done $0x0  }
0xc5: {  	s30 =	sadd.s32 $0xFFFFF000, s26;
	s31 =	simm.s32 $0x8200;
	[sflag:s20] =	ssyncadd.s32 $0xFFFF8000  }
0xc6: {  	[hbm4b:s30+s3] =	stream.linear.scatter [tilespmem:s31], [sflag:$0x5], $0x8000, $0x38;
	[tilespmem:$0x18200] =	vst v63  }
0xc7: {  	_ =	swait.ge [sflag:s21], $0x8000  }
0xc8: {  	p0 =	seq.s32 s25, $0x780;
	[sflag:s21] =	ssyncset.done $0x0  }
0xc9: {  	s30 =	sshra.s32 @!p0 s25, $0x2;
	[sflag:s21] =	ssyncadd.s32 $0xFFFF8000  }
0xca: {  	v2 =	vld.msk @!p0 [tilespmem:s30+$0x20], $0xff;
	_ =	sdelay $0x4  }
0xcb: {  	v3 =	vshll.u32 @!p0 v2, $0x5  }
0xcc: {  	v4 =	vlaneseq.u32 @!p0;
	v2 =	vand.u32 @!p0 $0x7, v2;
	v3 =	vand.u32 @!p0 $0xFFFFFF00, v3  }
0xcd: {  	v2 =	vor.u32 @!p0 v2, v3;
	v3 =	vand.u32 @!p0 $0x7, v4;
	v4 =	vshrl.u32 @!p0 v4, $0x3  }
0xce: {  	v2 =	vperm.xlane @!p0 v2, v3;
	v3 =	vmul.u32 @!p0 $0x8, v4;
	_ =	sdelay $0x1  }
0xcf: {  	v2 =	vadd.s32 @!p0 v3, v2;
	_ =	sdelay $0x3  }
0xd0: {  	vm1 =	vmmov @!p0 $0xffff;
	s31 =	simm.s32 @!p0 $0x8200;
	s30 =	simm.s32 @!p0 $0x0  }
0xd1: {  	[tilespmem:s31], [sflag:$0x2] =	stream.indirect_vreg.gather @!p0 [hbm4b:s1+s30], $0x80, v2, vm1, $0xb8;
	[tilespmem:$0x18200] =	vst v63  }
0xd2: {  	s31 =	simm.s32 @!p0 $0x8A00  }
0xd3: {  	[tilespmem:s31], [sflag:$0x2] =	stream.indirect_vreg.gather @!p0 [hbm4b:s5+s30], $0x80, v2, vm1, $0xb8;
	[tilespmem:$0x18200] =	vst v63  }
0xd4: {  	s31 =	simm.s32 @!p0 $0x9200  }
0xd5: {  	[tilespmem:s31], [sflag:$0x2] =	stream.indirect_vreg.gather @!p0 [hbm4b:s6+s30], $0x80, v2, vm1, $0xb8;
	[tilespmem:$0x18200] =	vst v63  }
0xd6: {  	s31 =	simm.s32 @!p0 $0x9A00  }
0xd7: {  	[tilespmem:s31], [sflag:$0x2] =	stream.indirect_vreg.gather @!p0 [hbm4b:s7+s30], $0x80, v2, vm1, $0xb8;
	[tilespmem:$0x18200] =	vst v63  }
0xd8: {  	s31 =	simm.s32 @!p0 $0xA200  }
0xd9: {  	[tilespmem:s31], [sflag:$0x2] =	stream.indirect_vreg.gather @!p0 [hbm4b:s8+s30], $0x80, v2, vm1, $0xb8;
	[tilespmem:$0x18200] =	vst v63  }
0xda: {  	s31 =	simm.s32 @!p0 $0xAA00  }
0xdb: {  	[tilespmem:s31], [sflag:$0x2] =	stream.indirect_vreg.gather @!p0 [hbm4b:s9+s30], $0x80, v2, vm1, $0xb8;
	[tilespmem:$0x18200] =	vst v63  }
0xdc: {  	s31 =	simm.s32 @!p0 $0xB200  }
0xdd: {  	[tilespmem:s31], [sflag:$0x2] =	stream.indirect_vreg.gather @!p0 [hbm4b:s10+s30], $0x80, v2, vm1, $0xb8;
	[tilespmem:$0x18200] =	vst v63  }
0xde: {  	s31 =	simm.s32 @!p0 $0xBA00  }
0xdf: {  	[tilespmem:s31], [sflag:$0x2] =	stream.indirect_vreg.gather @!p0 [hbm4b:s11+s30], $0x80, v2, vm1, $0xb8;
	[tilespmem:$0x18200] =	vst v63  }
0xe0: {  	s31 =	simm.s32 @!p0 $0xC200  }
0xe1: {  	[tilespmem:s31], [sflag:$0x2] =	stream.indirect_vreg.gather @!p0 [hbm4b:s12+s30], $0x80, v2, vm1, $0xb8;
	[tilespmem:$0x18200] =	vst v63  }
0xe2: {  	s31 =	simm.s32 @!p0 $0xCA00  }
0xe3: {  	[tilespmem:s31], [sflag:$0x2] =	stream.indirect_vreg.gather @!p0 [hbm4b:s13+s30], $0x80, v2, vm1, $0xb8;
	[tilespmem:$0x18200] =	vst v63  }
0xe4: {  	s31 =	simm.s32 @!p0 $0xD200  }
0xe5: {  	[tilespmem:s31], [sflag:$0x2] =	stream.indirect_vreg.gather @!p0 [hbm4b:s14+s30], $0x80, v2, vm1, $0xb8;
	[tilespmem:$0x18200] =	vst v63  }
0xe6: {  	s31 =	simm.s32 @!p0 $0xDA00  }
0xe7: {  	[tilespmem:s31], [sflag:$0x2] =	stream.indirect_vreg.gather @!p0 [hbm4b:s15+s30], $0x80, v2, vm1, $0xb8;
	[tilespmem:$0x18200] =	vst v63  }
0xe8: {  	s31 =	simm.s32 @!p0 $0xE200  }
0xe9: {  	[tilespmem:s31], [sflag:$0x2] =	stream.indirect_vreg.gather @!p0 [hbm4b:s16+s30], $0x80, v2, vm1, $0xb8;
	[tilespmem:$0x18200] =	vst v63  }
0xea: {  	s31 =	simm.s32 @!p0 $0xEA00  }
0xeb: {  	[tilespmem:s31], [sflag:$0x2] =	stream.indirect_vreg.gather @!p0 [hbm4b:s17+s30], $0x80, v2, vm1, $0xb8;
	[tilespmem:$0x18200] =	vst v63  }
0xec: {  	s31 =	simm.s32 @!p0 $0xF200  }
0xed: {  	[tilespmem:s31], [sflag:$0x2] =	stream.indirect_vreg.gather @!p0 [hbm4b:s18+s30], $0x80, v2, vm1, $0xb8;
	[tilespmem:$0x18200] =	vst v63  }
0xee: {  	s31 =	simm.s32 @!p0 $0xFA00  }
0xef: {  	[tilespmem:s31], [sflag:$0x2] =	stream.indirect_vreg.gather @!p0 [hbm4b:s19+s30], $0x80, v2, vm1, $0xb8;
	[tilespmem:$0x18200] =	vst v63  }
0xf0: {  	_ =	swait.ge [sflag:s22], $0x8000  }
0xf1: {  	[sflag:s22] =	ssyncset.done $0x0  }
.Ltmp2:
0xf2: {  	[sflag:s22] =	ssyncadd.s32 $0xFFFF8000;
	(pc) =	sbr.rel @p0 .LBB2_4-.Ltmp2, $4  }
0xf3: {  	[hbm4b:s26+s3] =	stream.linear.scatter [tilespmem:s29], [sflag:$0x6], $0x8000, $0x38;
	[tilespmem:$0x18200] =	vst v63  }
0xf4: {  	_ =	swait.ge [sflag:s23], $0x8000  }
0xf5: {  	[sflag:s23] =	ssyncset.done $0x0  }
0xf6: {  	[sflag:s23] =	ssyncadd.s32 $0xFFFF8000  }
0xf7: {  	v2 =	vld.msk [tilespmem:s28+$0x28], $0xff;
	_ =	sdelay $0x4  }
0xf8: {  	v3 =	vshll.u32 v2, $0x5  }
0xf9: {  	v2 =	vand.u32 $0x7, v2;
	v3 =	vand.u32 $0xFFFFFF00, v3  }
0xfa: {  	v2 =	vor.u32 v2, v3  }
0xfb: {  	v2 =	vperm.xlane v2, v0;
	_ =	sdelay $0x1  }
0xfc: {  	v2 =	vadd.s32 v1, v2;
	_ =	sdelay $0x4  }
0xfd: {  	[tilespmem:s29], [sflag:$0x3] =	stream.indirect_vreg.gather [hbm4b:s1+s3], $0x80, v2, vm0, $0xb8;
	[tilespmem:$0x18200] =	vst v63  }
0xfe: {  	s30 =	simm.s32 $0x10A00  }
0xff: {  	[tilespmem:s30], [sflag:$0x3] =	stream.indirect_vreg.gather [hbm4b:s5+s3], $0x80, v2, vm0, $0xb8;
	[tilespmem:$0x18200] =	vst v63  }
0x100: {  	s31 =	simm.s32 $0x11200  }
0x101: {  	[tilespmem:s31], [sflag:$0x3] =	stream.indirect_vreg.gather [hbm4b:s6+s3], $0x80, v2, vm0, $0xb8;
	[tilespmem:$0x18200] =	vst v63  }
0x102: {  	s30 =	simm.s32 $0x11A00  }
0x103: {  	[tilespmem:s30], [sflag:$0x3] =	stream.indirect_vreg.gather [hbm4b:s7+s3], $0x80, v2, vm0, $0xb8;
	[tilespmem:$0x18200] =	vst v63  }
0x104: {  	s31 =	simm.s32 $0x12200  }
0x105: {  	[tilespmem:s31], [sflag:$0x3] =	stream.indirect_vreg.gather [hbm4b:s8+s3], $0x80, v2, vm0, $0xb8;
	[tilespmem:$0x18200] =	vst v63  }
0x106: {  	s30 =	simm.s32 $0x12A00  }
0x107: {  	[tilespmem:s30], [sflag:$0x3] =	stream.indirect_vreg.gather [hbm4b:s9+s3], $0x80, v2, vm0, $0xb8;
	[tilespmem:$0x18200] =	vst v63  }
0x108: {  	s31 =	simm.s32 $0x13200  }
0x109: {  	[tilespmem:s31], [sflag:$0x3] =	stream.indirect_vreg.gather [hbm4b:s10+s3], $0x80, v2, vm0, $0xb8;
	[tilespmem:$0x18200] =	vst v63  }
0x10a: {  	s30 =	simm.s32 $0x13A00  }
0x10b: {  	[tilespmem:s30], [sflag:$0x3] =	stream.indirect_vreg.gather [hbm4b:s11+s3], $0x80, v2, vm0, $0xb8;
	[tilespmem:$0x18200] =	vst v63  }
0x10c: {  	s31 =	simm.s32 $0x14200  }
0x10d: {  	[tilespmem:s31], [sflag:$0x3] =	stream.indirect_vreg.gather [hbm4b:s12+s3], $0x80, v2, vm0, $0xb8;
	[tilespmem:$0x18200] =	vst v63  }
0x10e: {  	s30 =	simm.s32 $0x14A00  }
0x10f: {  	[tilespmem:s30], [sflag:$0x3] =	stream.indirect_vreg.gather [hbm4b:s13+s3], $0x80, v2, vm0, $0xb8;
	[tilespmem:$0x18200] =	vst v63  }
0x110: {  	s31 =	simm.s32 $0x15200  }
0x111: {  	[tilespmem:s31], [sflag:$0x3] =	stream.indirect_vreg.gather [hbm4b:s14+s3], $0x80, v2, vm0, $0xb8;
	[tilespmem:$0x18200] =	vst v63  }
0x112: {  	s30 =	simm.s32 $0x15A00  }
0x113: {  	[tilespmem:s30], [sflag:$0x3] =	stream.indirect_vreg.gather [hbm4b:s15+s3], $0x80, v2, vm0, $0xb8;
	[tilespmem:$0x18200] =	vst v63  }
0x114: {  	s31 =	simm.s32 $0x16200  }
0x115: {  	[tilespmem:s31], [sflag:$0x3] =	stream.indirect_vreg.gather [hbm4b:s16+s3], $0x80, v2, vm0, $0xb8;
	[tilespmem:$0x18200] =	vst v63  }
0x116: {  	s30 =	simm.s32 $0x16A00  }
0x117: {  	[tilespmem:s30], [sflag:$0x3] =	stream.indirect_vreg.gather [hbm4b:s17+s3], $0x80, v2, vm0, $0xb8;
	[tilespmem:$0x18200] =	vst v63  }
.Ltmp3:
0x118: {  	_ = 	snop;
	(pc) =	sbr.rel .LBB2_2-.Ltmp3, $4  }
0x119: {  	s31 =	simm.s32 $0x17200  }
0x11a: {  	[tilespmem:s31], [sflag:$0x3] =	stream.indirect_vreg.gather [hbm4b:s18+s3], $0x80, v2, vm0, $0xb8;
	[tilespmem:$0x18200] =	vst v63  }
0x11b: {  	s26 =	sadd.s32 $0x3000, s26;
	s25 =	sadd.s32 $0x60, s25  }
0x11c: {  	[tilespmem:s0], [sflag:$0x3] =	stream.indirect_vreg.gather [hbm4b:s19+s3], $0x80, v2, vm0, $0xb8;
	[tilespmem:$0x18200] =	vst v63  }
.LBB2_5:
0x11d: {  	_ =	sfence.sel $0x180000  }
0x11e: {  	[bflag:$0x0] =	sbarrier.arrive $0xFFFF  }
0x11f: {  	_ =	strace $0x90000047  }
0x120: {  	s0 =	stileid.u32;
	[bflag:$0x2] =	sbarrier.arrive $0xFFFF  }
0x121: {  	p0 =	sne.s32 s0, $0x0;
	s0 =	rddreg [dreg:$0x3]  }
0x122: {  	s0 =	sadd.s32 @!p0 $0x100000, s0  }
0x123: {  	[sflag:s0] =	ssyncadd.tile.s32 @!p0 $0x1;
	_ =	shalt  }
.Lfunc_end2:
_tile_overlayer_lowered:
.L_overlay_start_2:
0x124: {  	(tag) =	ssettag $0x2  }
0x125: {  	s0 =	rddreg [dreg:$0x0];
	s2 =	stileid.u32  }
0x126: {  	s1 =	rddreg [dreg:$0x1];
	p0 =	sne.s32 s2, $0x0  }
0x127: {  	s3 =	rddreg [dreg:$0x2];
	[bflag:$0x3] =	sbarrier.arrive $0xFFFF;
	s2 =	simm.s32 @!p0 $0x1C07  }
0x128: {  	[timem:s3], [sflag:s2] =	dma.local @!p0 [hbm:s0], s1  }
0x129: {  	s0 =	simm.s32 @!p0 $0x7  }
0x12a: {  	_ =	swait.ge @!p0 [sflag:s0], s1  }
0x12b: {  	s1 =	ssub.s32 @!p0 $0x0, s1;
	[sflag:s0] =	ssyncset.done @!p0 $0x0  }
0x12c: {  	[sflag:s0] =	ssyncadd.s32 @!p0 s1  }
0x12d: {  	[bflag:$0x3] =	sbarrier.arrive $0xFFFF  }
0x12e: {  	_ =	shalt  }

</sc_bundles>
